<compile_context>
chip_gen: v7x
topology: tpu7x:2x2x1
jax: 0.10.2.dev20260603
libtpu: 0.0.44.dev20260713+nightly
codegen_flags: <defaults>
</compile_context>

<pallas_src>
import functools

import jax
import jax.numpy as jnp
from jax import lax
from jax.experimental import pallas as pl
from jax.experimental.pallas import tpu as pltpu
from jax.experimental.pallas import tpu_sc as plsc

_ROPE_BASE = 10000.0


def _sc_gather_rope(BL, V, D, L):
    info = plsc.get_sparse_core_info()
    NC, NS, LN = info.num_cores, info.num_subcores, info.num_lanes
    NW = NC * NS
    assert BL % NW == 0
    per_w = BL // NW
    C = L
    assert per_w % (2 * C) == 0
    n_chunks = per_w // C
    half_n = n_chunks // 2
    G = 40
    assert C % G == 0
    n_g = C // G
    nj = D // LN

    mesh = plsc.VectorSubcoreMesh(core_axis_name="c", subcore_axis_name="s")

    @functools.partial(
        pl.kernel,
        mesh=mesh,
        compiler_params=pltpu.CompilerParams(use_tc_tiling_on_sc=False),
        out_type=jax.ShapeDtypeStruct((BL, D), jnp.float32),
        scratch_types=[
            pltpu.VMEM((C,), jnp.int32),
            pltpu.VMEM((C,), jnp.int32),
            pltpu.VMEM((C, D), jnp.float32),
            pltpu.VMEM((C, D), jnp.float32),
            pltpu.VMEM((L, D), jnp.float32),
            pltpu.VMEM((L, D), jnp.float32),
            pltpu.VMEM((L, D), jnp.float32),
            pltpu.SemaphoreType.DMA,
            pltpu.SemaphoreType.DMA,
            pltpu.SemaphoreType.DMA,
            pltpu.SemaphoreType.DMA,
        ],
    )
    def k(idx_hbm, emb_hbm, c1_hbm, c2_hbm, p_hbm, out_hbm,
          idx0, idx1, rows0, rows1, c1_v, c2_v, p_v,
          gsem0, gsem1, wsem0, wsem1):
        wid = lax.axis_index("s") * NC + lax.axis_index("c")
        base_w = wid * per_w
        pltpu.sync_copy(c1_hbm, c1_v)
        pltpu.sync_copy(c2_hbm, c2_v)
        pltpu.sync_copy(p_hbm, p_v)

        def issue(t, idx_v, rows_v, gsem):
            base = base_w + t * C
            pltpu.sync_copy(idx_hbm.at[pl.ds(base, C)], idx_v)
            for g in range(n_g):
                pltpu.async_copy(
                    emb_hbm.at[idx_v.at[pl.ds(g * G, G)]],
                    rows_v.at[pl.ds(g * G, G)], gsem)

        def drain_gathers(idx_v, rows_v, gsem):
            pltpu.make_async_copy(emb_hbm.at[idx_v], rows_v, gsem).wait()

        def wait_write(rows_v, wsem):
            pltpu.make_async_copy(
                rows_v, out_hbm.at[pl.ds(base_w, C)], wsem).wait()

        def compute(rows_v):
            def row_body(r, carry):
                rb = [rows_v[r, pl.ds(j * LN, LN)] for j in range(nj)]
                for j in range(nj):
                    js = (j + nj // 2) % nj
                    rows_v[r, pl.ds(j * LN, LN)] = (
                        rb[j] * c1_v[r, pl.ds(j * LN, LN)]
                        + rb[js] * c2_v[r, pl.ds(j * LN, LN)]
                        + p_v[r, pl.ds(j * LN, LN)])
                return carry
            lax.fori_loop(0, C, row_body, 0)

        def write(t, rows_v, wsem):
            pltpu.async_copy(rows_v, out_hbm.at[pl.ds(base_w + t * C, C)],
                             wsem)

        issue(0, idx0, rows0, gsem0)

        def pair_body(t2, carry):
            te = 2 * t2

            drain_gathers(idx0, rows0, gsem0)

            @pl.when(t2 > 0)
            def _():
                wait_write(rows1, wsem1)

            issue(te + 1, idx1, rows1, gsem1)
            compute(rows0)
            write(te, rows0, wsem0)

            drain_gathers(idx1, rows1, gsem1)

            @pl.when(t2 < half_n - 1)
            def _():
                wait_write(rows0, wsem0)
                issue(te + 2, idx0, rows0, gsem0)

            compute(rows1)
            write(te + 1, rows1, wsem1)
            return carry

        lax.fori_loop(0, half_n, pair_body, 0)
        wait_write(rows0, wsem0)
        wait_write(rows1, wsem1)

    return k


def kernel(x, emb_table, pos_table):
    B, L = x.shape
    V, D = emb_table.shape
    half = D // 2
    idx = x.reshape(B * L).astype(jnp.int32)
    freqs = 1.0 / (_ROPE_BASE ** (jnp.arange(half, dtype=jnp.float32) / D))
    ang = jnp.arange(L, dtype=jnp.float32)[:, None] * freqs[None, :]
    c = jnp.cos(ang)
    s = jnp.sin(ang)
    c1 = jnp.concatenate([c, c], axis=-1)
    c2 = jnp.concatenate([-s, s], axis=-1)
    out = _sc_gather_rope(B * L, V, D, L)(
        idx, emb_table, c1, c2, pos_table.astype(jnp.float32))
    return out.reshape(B, L, D)

# --- scband reference (transcript-rebuilt; emitter-appended) ---
"""Pipeline reference for scband-model-80942953661185 (READ-ONLY COPY).

The authoritative reference and input builder live on the scoring server;
editing this copy changes nothing except your own understanding.
"""

import jax, jax.numpy as jnp
import numpy as np

BATCH = 4096
SEQ = 200
VOCAB = 1000000
DIM = 64
BASE = 10000


def rope(inp, base=BASE):
    # inp: [B, L, D]; faithful to the torch math: split halves, 2D rotation, concat
    L = inp.shape[-2]
    D = inp.shape[-1]
    half = D // 2
    freqs_indices = jnp.arange(0, half, dtype=jnp.float32)
    freqs = 1.0 / (base ** (freqs_indices / D))
    positions = jnp.arange(0, L, dtype=jnp.float32)
    angles = positions[:, None] * freqs[None, :]  # [L, half]
    sin_angles = jnp.sin(angles)
    cos_angles = jnp.cos(angles)
    input_even = inp[..., :half]
    input_odd = inp[..., half:]
    even_rot = input_even * cos_angles - input_odd * sin_angles
    odd_rot = input_even * sin_angles + input_odd * cos_angles
    return jnp.concatenate([even_rot, odd_rot], axis=-1)


def setup_inputs(seed: int = 0) -> dict:
    key = jax.random.key(seed)
    k1, k2, k3 = jax.random.split(key, 3)
    x = jax.random.randint(k1, (BATCH, SEQ), 0, VOCAB, dtype=jnp.int64 if jax.config.read('jax_enable_x64') else jnp.int32)
    emb_table = jax.random.normal(k2, (VOCAB, DIM), dtype=jnp.float32)
    pos_table = jax.random.normal(k3, (SEQ, DIM), dtype=jnp.float32)
    return {"x": x, "emb_table": emb_table, "pos_table": pos_table}


def reference(x, emb_table, pos_table):
    # token embedding gather (SparseCore-style gather)
    h = jnp.take(emb_table, x, axis=0)  # [B, L, D]
    # rotary positional encoding
    h = rope(h)
    # positional embedding gather over positions 0..L-1, broadcast over batch
    L = x.shape[1]
    pos = jnp.take(pos_table, jnp.arange(L), axis=0)  # [L, D]
    h = h + pos[None, :, :]
    return h

if __name__ == "__main__":
    import jax
    _d = setup_inputs()
    print(jax.jit(kernel)(*tuple(_d.values())))

</pallas_src>

<mosaic_0001>
#map = affine_map<(d0, d1) -> (0)>
#map1 = affine_map<(d0, d1) -> (0, 0)>
module attributes {stable_mosaic.version = 14 : i64} {
  func.func @k(%arg0: i32, %arg1: i32, %arg2: memref<819200xi32, #tpu.memory_space<hbm>>, %arg3: memref<1000000x64xf32, #tpu.memory_space<hbm>>, %arg4: memref<200x64xf32, #tpu.memory_space<hbm>>, %arg5: memref<200x64xf32, #tpu.memory_space<hbm>>, %arg6: memref<200x64xf32, #tpu.memory_space<hbm>>, %arg7: memref<819200x64xf32, #tpu.memory_space<hbm>>, %arg8: memref<200xi32, #tpu.memory_space<vmem>>, %arg9: memref<200xi32, #tpu.memory_space<vmem>>, %arg10: memref<200x64xf32, #tpu.memory_space<vmem>>, %arg11: memref<200x64xf32, #tpu.memory_space<vmem>>, %arg12: memref<200x64xf32, #tpu.memory_space<vmem>>, %arg13: memref<200x64xf32, #tpu.memory_space<vmem>>, %arg14: memref<200x64xf32, #tpu.memory_space<vmem>>, %arg15: memref<!tpu.dma_semaphore, #tpu.memory_space<semaphore_mem>>, %arg16: memref<!tpu.dma_semaphore, #tpu.memory_space<semaphore_mem>>, %arg17: memref<!tpu.dma_semaphore, #tpu.memory_space<semaphore_mem>>, %arg18: memref<!tpu.dma_semaphore, #tpu.memory_space<semaphore_mem>>) attributes {dimension_semantics = [#tpu.dimension_semantics<core_parallel>, #tpu.dimension_semantics<subcore_parallel>], iteration_bounds = array<i64: 2, 16>, scalar_prefetch = 0 : i64, scratch_operands = 11 : i64, tpu.core_type = #tpu.core_type<sc_vector_subcore>, window_params = [{transform_indices = #map}, {transform_indices = #map1}, {transform_indices = #map1}, {transform_indices = #map1}, {transform_indices = #map1}, {transform_indices = #map1}]} {
    %mul3A = arith.constant 2 : i32
    %mul3A_0 = arith.muli %arg1, %mul3A : i32
    %add3A = arith.addi %mul3A_0, %arg0 : i32
    %mul3A_1 = arith.constant 25600 : i32
    %mul3A_2 = arith.muli %add3A, %mul3A_1 : i32
    "tpu.region"() ({
      %run_scoped3A = tpu.sem_alloc : memref<!tpu.dma_semaphore, #tpu.memory_space<semaphore_mem>>
      tpu.enqueue_dma source(%arg4 : memref<200x64xf32, #tpu.memory_space<hbm>>) target(%arg12 : memref<200x64xf32, #tpu.memory_space<vmem>>) target_semaphore(%run_scoped3A : memref<!tpu.dma_semaphore, #tpu.memory_space<semaphore_mem>>)
      tpu.wait_dma2 semaphore(%run_scoped3A : memref<!tpu.dma_semaphore, #tpu.memory_space<semaphore_mem>>) src(%arg4 : memref<200x64xf32, #tpu.memory_space<hbm>>) dst(%arg12 : memref<200x64xf32, #tpu.memory_space<vmem>>)
      tpu.yield
    }) : () -> ()
    "tpu.region"() ({
      %run_scoped3A = tpu.sem_alloc : memref<!tpu.dma_semaphore, #tpu.memory_space<semaphore_mem>>
      tpu.enqueue_dma source(%arg5 : memref<200x64xf32, #tpu.memory_space<hbm>>) target(%arg13 : memref<200x64xf32, #tpu.memory_space<vmem>>) target_semaphore(%run_scoped3A : memref<!tpu.dma_semaphore, #tpu.memory_space<semaphore_mem>>)
      tpu.wait_dma2 semaphore(%run_scoped3A : memref<!tpu.dma_semaphore, #tpu.memory_space<semaphore_mem>>) src(%arg5 : memref<200x64xf32, #tpu.memory_space<hbm>>) dst(%arg13 : memref<200x64xf32, #tpu.memory_space<vmem>>)
      tpu.yield
    }) : () -> ()
    "tpu.region"() ({
      %run_scoped3A = tpu.sem_alloc : memref<!tpu.dma_semaphore, #tpu.memory_space<semaphore_mem>>
      tpu.enqueue_dma source(%arg6 : memref<200x64xf32, #tpu.memory_space<hbm>>) target(%arg14 : memref<200x64xf32, #tpu.memory_space<vmem>>) target_semaphore(%run_scoped3A : memref<!tpu.dma_semaphore, #tpu.memory_space<semaphore_mem>>)
      tpu.wait_dma2 semaphore(%run_scoped3A : memref<!tpu.dma_semaphore, #tpu.memory_space<semaphore_mem>>) src(%arg6 : memref<200x64xf32, #tpu.memory_space<hbm>>) dst(%arg14 : memref<200x64xf32, #tpu.memory_space<vmem>>)
      tpu.yield
    }) : () -> ()
    %add3A_3 = arith.constant 0 : i32
    %add3A_4 = arith.addi %mul3A_2, %add3A_3 : i32
    "tpu.region"() ({
      %run_scoped3A = tpu.sem_alloc : memref<!tpu.dma_semaphore, #tpu.memory_space<semaphore_mem>>
      %dma_start3A_56 = tpu.memref_slice %arg2[%add3A_4] : memref<819200xi32, #tpu.memory_space<hbm>> -> memref<200xi32, #tpu.memory_space<hbm>>
      %dma_start3A_57 = tpu.memref_slice %arg2[%add3A_4] : memref<819200xi32, #tpu.memory_space<hbm>> -> memref<200xi32, #tpu.memory_space<hbm>>
      tpu.enqueue_dma source(%dma_start3A_57 : memref<200xi32, #tpu.memory_space<hbm>>) target(%arg8 : memref<200xi32, #tpu.memory_space<vmem>>) target_semaphore(%run_scoped3A : memref<!tpu.dma_semaphore, #tpu.memory_space<semaphore_mem>>)
      %dma_wait3A_58 = tpu.memref_slice %arg2[%add3A_4] : memref<819200xi32, #tpu.memory_space<hbm>> -> memref<200xi32, #tpu.memory_space<hbm>>
      %dma_wait3A_59 = tpu.memref_slice %arg2[%add3A_4] : memref<819200xi32, #tpu.memory_space<hbm>> -> memref<200xi32, #tpu.memory_space<hbm>>
      tpu.wait_dma2 semaphore(%run_scoped3A : memref<!tpu.dma_semaphore, #tpu.memory_space<semaphore_mem>>) src(%dma_wait3A_59 : memref<200xi32, #tpu.memory_space<hbm>>) dst(%arg8 : memref<200xi32, #tpu.memory_space<vmem>>)
      tpu.yield
    }) : () -> ()
    %dma_start3A = arith.constant 0 : i32
    %dma_start3A_5 = arith.constant 0 : i32
    %dma_start3A_6 = tpu.memref_slice %arg10[%dma_start3A, %dma_start3A_5] : memref<200x64xf32, #tpu.memory_space<vmem>> -> memref<40x64xf32, #tpu.memory_space<vmem>>
    %dma_start3A_7 = arith.constant 0 : i32
    %dma_start3A_8 = tpu.memref_slice %arg8[%dma_start3A_7] : memref<200xi32, #tpu.memory_space<vmem>> -> memref<40xi32, #tpu.memory_space<vmem>>
    %dma_start3A_9 = arith.constant 0 : i32
    %dma_start3A_10 = arith.constant 0 : i32
    %dma_start3A_11 = tpu.memref_slice %arg3[%dma_start3A_9, %dma_start3A_10] : memref<1000000x64xf32, #tpu.memory_space<hbm>> -> memref<1000000x64xf32, #tpu.memory_space<hbm>>
    tpu.enqueue_indirect_dma source(%dma_start3A_11 : memref<1000000x64xf32, #tpu.memory_space<hbm>>) target(%dma_start3A_6 : memref<40x64xf32, #tpu.memory_space<vmem>>) offsets(%dma_start3A_8 : memref<40xi32, #tpu.memory_space<vmem>>) semaphore(%arg15 : memref<!tpu.dma_semaphore, #tpu.memory_space<semaphore_mem>>)
    %dma_start3A_12 = arith.constant 40 : i32
    %dma_start3A_13 = arith.constant 0 : i32
    %dma_start3A_14 = tpu.memref_slice %arg10[%dma_start3A_12, %dma_start3A_13] : memref<200x64xf32, #tpu.memory_space<vmem>> -> memref<40x64xf32, #tpu.memory_space<vmem>>
    %dma_start3A_15 = arith.constant 40 : i32
    %dma_start3A_16 = tpu.memref_slice %arg8[%dma_start3A_15] : memref<200xi32, #tpu.memory_space<vmem>> -> memref<40xi32, #tpu.memory_space<vmem>>
    %dma_start3A_17 = arith.constant 0 : i32
    %dma_start3A_18 = arith.constant 0 : i32
    %dma_start3A_19 = tpu.memref_slice %arg3[%dma_start3A_17, %dma_start3A_18] : memref<1000000x64xf32, #tpu.memory_space<hbm>> -> memref<1000000x64xf32, #tpu.memory_space<hbm>>
    tpu.enqueue_indirect_dma source(%dma_start3A_19 : memref<1000000x64xf32, #tpu.memory_space<hbm>>) target(%dma_start3A_14 : memref<40x64xf32, #tpu.memory_space<vmem>>) offsets(%dma_start3A_16 : memref<40xi32, #tpu.memory_space<vmem>>) semaphore(%arg15 : memref<!tpu.dma_semaphore, #tpu.memory_space<semaphore_mem>>)
    %dma_start3A_20 = arith.constant 80 : i32
    %dma_start3A_21 = arith.constant 0 : i32
    %dma_start3A_22 = tpu.memref_slice %arg10[%dma_start3A_20, %dma_start3A_21] : memref<200x64xf32, #tpu.memory_space<vmem>> -> memref<40x64xf32, #tpu.memory_space<vmem>>
    %dma_start3A_23 = arith.constant 80 : i32
    %dma_start3A_24 = tpu.memref_slice %arg8[%dma_start3A_23] : memref<200xi32, #tpu.memory_space<vmem>> -> memref<40xi32, #tpu.memory_space<vmem>>
    %dma_start3A_25 = arith.constant 0 : i32
    %dma_start3A_26 = arith.constant 0 : i32
    %dma_start3A_27 = tpu.memref_slice %arg3[%dma_start3A_25, %dma_start3A_26] : memref<1000000x64xf32, #tpu.memory_space<hbm>> -> memref<1000000x64xf32, #tpu.memory_space<hbm>>
    tpu.enqueue_indirect_dma source(%dma_start3A_27 : memref<1000000x64xf32, #tpu.memory_space<hbm>>) target(%dma_start3A_22 : memref<40x64xf32, #tpu.memory_space<vmem>>) offsets(%dma_start3A_24 : memref<40xi32, #tpu.memory_space<vmem>>) semaphore(%arg15 : memref<!tpu.dma_semaphore, #tpu.memory_space<semaphore_mem>>)
    %dma_start3A_28 = arith.constant 120 : i32
    %dma_start3A_29 = arith.constant 0 : i32
    %dma_start3A_30 = tpu.memref_slice %arg10[%dma_start3A_28, %dma_start3A_29] : memref<200x64xf32, #tpu.memory_space<vmem>> -> memref<40x64xf32, #tpu.memory_space<vmem>>
    %dma_start3A_31 = arith.constant 120 : i32
    %dma_start3A_32 = tpu.memref_slice %arg8[%dma_start3A_31] : memref<200xi32, #tpu.memory_space<vmem>> -> memref<40xi32, #tpu.memory_space<vmem>>
    %dma_start3A_33 = arith.constant 0 : i32
    %dma_start3A_34 = arith.constant 0 : i32
    %dma_start3A_35 = tpu.memref_slice %arg3[%dma_start3A_33, %dma_start3A_34] : memref<1000000x64xf32, #tpu.memory_space<hbm>> -> memref<1000000x64xf32, #tpu.memory_space<hbm>>
    tpu.enqueue_indirect_dma source(%dma_start3A_35 : memref<1000000x64xf32, #tpu.memory_space<hbm>>) target(%dma_start3A_30 : memref<40x64xf32, #tpu.memory_space<vmem>>) offsets(%dma_start3A_32 : memref<40xi32, #tpu.memory_space<vmem>>) semaphore(%arg15 : memref<!tpu.dma_semaphore, #tpu.memory_space<semaphore_mem>>)
    %dma_start3A_36 = arith.constant 160 : i32
    %dma_start3A_37 = arith.constant 0 : i32
    %dma_start3A_38 = tpu.memref_slice %arg10[%dma_start3A_36, %dma_start3A_37] : memref<200x64xf32, #tpu.memory_space<vmem>> -> memref<40x64xf32, #tpu.memory_space<vmem>>
    %dma_start3A_39 = arith.constant 160 : i32
    %dma_start3A_40 = tpu.memref_slice %arg8[%dma_start3A_39] : memref<200xi32, #tpu.memory_space<vmem>> -> memref<40xi32, #tpu.memory_space<vmem>>
    %dma_start3A_41 = arith.constant 0 : i32
    %dma_start3A_42 = arith.constant 0 : i32
    %dma_start3A_43 = tpu.memref_slice %arg3[%dma_start3A_41, %dma_start3A_42] : memref<1000000x64xf32, #tpu.memory_space<hbm>> -> memref<1000000x64xf32, #tpu.memory_space<hbm>>
    tpu.enqueue_indirect_dma source(%dma_start3A_43 : memref<1000000x64xf32, #tpu.memory_space<hbm>>) target(%dma_start3A_38 : memref<40x64xf32, #tpu.memory_space<vmem>>) offsets(%dma_start3A_40 : memref<40xi32, #tpu.memory_space<vmem>>) semaphore(%arg15 : memref<!tpu.dma_semaphore, #tpu.memory_space<semaphore_mem>>)
    %scan3A = arith.constant 0 : i32
    %scan3A_44 = arith.constant 0 : i32
    %scan3A_45 = arith.constant 64 : i32
    %scan3A_46 = arith.addi %scan3A_44, %scan3A_45 : i32
    %scan3A_47 = arith.constant 1 : i32
    scf.for %scan3A_56 = %scan3A_44 to %scan3A_46 step %scan3A_47  : i32 {
      %mul3A_57 = arith.constant 2 : i32
      %mul3A_58 = arith.muli %mul3A_57, %scan3A_56 : i32
      %dma_wait3A_59 = arith.constant 0 : i32
      %dma_wait3A_60 = arith.constant 0 : i32
      %dma_wait3A_61 = tpu.memref_slice %arg3[%dma_wait3A_59, %dma_wait3A_60] : memref<1000000x64xf32, #tpu.memory_space<hbm>> -> memref<1000000x64xf32, #tpu.memory_space<hbm>>
      tpu.wait_indirect_dma semaphore(%arg15 : memref<!tpu.dma_semaphore, #tpu.memory_space<semaphore_mem>>) src(%dma_wait3A_61 : memref<1000000x64xf32, #tpu.memory_space<hbm>>) dst(%arg10 : memref<200x64xf32, #tpu.memory_space<vmem>>)
      %gt3A = arith.constant 0 : i32
      %gt3A_62 = arith.cmpi sgt, %scan3A_56, %gt3A : i32
      %convert_element_type3A = arith.extui %gt3A_62 : i1 to i32
      %cond3A = arith.constant 0 : i32
      %cond3A_63 = arith.cmpi ne, %convert_element_type3A, %cond3A : i32
      scf.if %cond3A_63 {
        %dma_wait3A_144 = arith.constant 0 : i32
        %dma_wait3A_145 = tpu.memref_slice %arg7[%mul3A_2, %dma_wait3A_144] : memref<819200x64xf32, #tpu.memory_space<hbm>> -> memref<200x64xf32, #tpu.memory_space<hbm>>
        %dma_wait3A_146 = arith.constant 0 : i32
        %dma_wait3A_147 = tpu.memref_slice %arg7[%mul3A_2, %dma_wait3A_146] : memref<819200x64xf32, #tpu.memory_space<hbm>> -> memref<200x64xf32, #tpu.memory_space<hbm>>
        tpu.wait_dma2 semaphore(%arg18 : memref<!tpu.dma_semaphore, #tpu.memory_space<semaphore_mem>>) src(%arg11 : memref<200x64xf32, #tpu.memory_space<vmem>>) dst(%dma_wait3A_147 : memref<200x64xf32, #tpu.memory_space<hbm>>)
      } else {
      }
      %add3A_64 = arith.constant 1 : i32
      %add3A_65 = arith.addi %mul3A_58, %add3A_64 : i32
      %mul3A_66 = arith.constant 200 : i32
      %mul3A_67 = arith.muli %add3A_65, %mul3A_66 : i32
      %add3A_68 = arith.addi %mul3A_2, %mul3A_67 : i32
      "tpu.region"() ({
        %run_scoped3A = tpu.sem_alloc : memref<!tpu.dma_semaphore, #tpu.memory_space<semaphore_mem>>
        %dma_start3A_144 = tpu.memref_slice %arg2[%add3A_68] : memref<819200xi32, #tpu.memory_space<hbm>> -> memref<200xi32, #tpu.memory_space<hbm>>
        %dma_start3A_145 = tpu.memref_slice %arg2[%add3A_68] : memref<819200xi32, #tpu.memory_space<hbm>> -> memref<200xi32, #tpu.memory_space<hbm>>
        tpu.enqueue_dma source(%dma_start3A_145 : memref<200xi32, #tpu.memory_space<hbm>>) target(%arg9 : memref<200xi32, #tpu.memory_space<vmem>>) target_semaphore(%run_scoped3A : memref<!tpu.dma_semaphore, #tpu.memory_space<semaphore_mem>>)
        %dma_wait3A_146 = tpu.memref_slice %arg2[%add3A_68] : memref<819200xi32, #tpu.memory_space<hbm>> -> memref<200xi32, #tpu.memory_space<hbm>>
        %dma_wait3A_147 = tpu.memref_slice %arg2[%add3A_68] : memref<819200xi32, #tpu.memory_space<hbm>> -> memref<200xi32, #tpu.memory_space<hbm>>
        tpu.wait_dma2 semaphore(%run_scoped3A : memref<!tpu.dma_semaphore, #tpu.memory_space<semaphore_mem>>) src(%dma_wait3A_147 : memref<200xi32, #tpu.memory_space<hbm>>) dst(%arg9 : memref<200xi32, #tpu.memory_space<vmem>>)
        tpu.yield
      }) : () -> ()
      %dma_start3A_69 = arith.constant 0 : i32
      %dma_start3A_70 = arith.constant 0 : i32
      %dma_start3A_71 = tpu.memref_slice %arg11[%dma_start3A_69, %dma_start3A_70] : memref<200x64xf32, #tpu.memory_space<vmem>> -> memref<40x64xf32, #tpu.memory_space<vmem>>
      %dma_start3A_72 = arith.constant 0 : i32
      %dma_start3A_73 = tpu.memref_slice %arg9[%dma_start3A_72] : memref<200xi32, #tpu.memory_space<vmem>> -> memref<40xi32, #tpu.memory_space<vmem>>
      %dma_start3A_74 = arith.constant 0 : i32
      %dma_start3A_75 = arith.constant 0 : i32
      %dma_start3A_76 = tpu.memref_slice %arg3[%dma_start3A_74, %dma_start3A_75] : memref<1000000x64xf32, #tpu.memory_space<hbm>> -> memref<1000000x64xf32, #tpu.memory_space<hbm>>
      tpu.enqueue_indirect_dma source(%dma_start3A_76 : memref<1000000x64xf32, #tpu.memory_space<hbm>>) target(%dma_start3A_71 : memref<40x64xf32, #tpu.memory_space<vmem>>) offsets(%dma_start3A_73 : memref<40xi32, #tpu.memory_space<vmem>>) semaphore(%arg16 : memref<!tpu.dma_semaphore, #tpu.memory_space<semaphore_mem>>)
      %dma_start3A_77 = arith.constant 40 : i32
      %dma_start3A_78 = arith.constant 0 : i32
      %dma_start3A_79 = tpu.memref_slice %arg11[%dma_start3A_77, %dma_start3A_78] : memref<200x64xf32, #tpu.memory_space<vmem>> -> memref<40x64xf32, #tpu.memory_space<vmem>>
      %dma_start3A_80 = arith.constant 40 : i32
      %dma_start3A_81 = tpu.memref_slice %arg9[%dma_start3A_80] : memref<200xi32, #tpu.memory_space<vmem>> -> memref<40xi32, #tpu.memory_space<vmem>>
      %dma_start3A_82 = arith.constant 0 : i32
      %dma_start3A_83 = arith.constant 0 : i32
      %dma_start3A_84 = tpu.memref_slice %arg3[%dma_start3A_82, %dma_start3A_83] : memref<1000000x64xf32, #tpu.memory_space<hbm>> -> memref<1000000x64xf32, #tpu.memory_space<hbm>>
      tpu.enqueue_indirect_dma source(%dma_start3A_84 : memref<1000000x64xf32, #tpu.memory_space<hbm>>) target(%dma_start3A_79 : memref<40x64xf32, #tpu.memory_space<vmem>>) offsets(%dma_start3A_81 : memref<40xi32, #tpu.memory_space<vmem>>) semaphore(%arg16 : memref<!tpu.dma_semaphore, #tpu.memory_space<semaphore_mem>>)
      %dma_start3A_85 = arith.constant 80 : i32
      %dma_start3A_86 = arith.constant 0 : i32
      %dma_start3A_87 = tpu.memref_slice %arg11[%dma_start3A_85, %dma_start3A_86] : memref<200x64xf32, #tpu.memory_space<vmem>> -> memref<40x64xf32, #tpu.memory_space<vmem>>
      %dma_start3A_88 = arith.constant 80 : i32
      %dma_start3A_89 = tpu.memref_slice %arg9[%dma_start3A_88] : memref<200xi32, #tpu.memory_space<vmem>> -> memref<40xi32, #tpu.memory_space<vmem>>
      %dma_start3A_90 = arith.constant 0 : i32
      %dma_start3A_91 = arith.constant 0 : i32
      %dma_start3A_92 = tpu.memref_slice %arg3[%dma_start3A_90, %dma_start3A_91] : memref<1000000x64xf32, #tpu.memory_space<hbm>> -> memref<1000000x64xf32, #tpu.memory_space<hbm>>
      tpu.enqueue_indirect_dma source(%dma_start3A_92 : memref<1000000x64xf32, #tpu.memory_space<hbm>>) target(%dma_start3A_87 : memref<40x64xf32, #tpu.memory_space<vmem>>) offsets(%dma_start3A_89 : memref<40xi32, #tpu.memory_space<vmem>>) semaphore(%arg16 : memref<!tpu.dma_semaphore, #tpu.memory_space<semaphore_mem>>)
      %dma_start3A_93 = arith.constant 120 : i32
      %dma_start3A_94 = arith.constant 0 : i32
      %dma_start3A_95 = tpu.memref_slice %arg11[%dma_start3A_93, %dma_start3A_94] : memref<200x64xf32, #tpu.memory_space<vmem>> -> memref<40x64xf32, #tpu.memory_space<vmem>>
      %dma_start3A_96 = arith.constant 120 : i32
      %dma_start3A_97 = tpu.memref_slice %arg9[%dma_start3A_96] : memref<200xi32, #tpu.memory_space<vmem>> -> memref<40xi32, #tpu.memory_space<vmem>>
      %dma_start3A_98 = arith.constant 0 : i32
      %dma_start3A_99 = arith.constant 0 : i32
      %dma_start3A_100 = tpu.memref_slice %arg3[%dma_start3A_98, %dma_start3A_99] : memref<1000000x64xf32, #tpu.memory_space<hbm>> -> memref<1000000x64xf32, #tpu.memory_space<hbm>>
      tpu.enqueue_indirect_dma source(%dma_start3A_100 : memref<1000000x64xf32, #tpu.memory_space<hbm>>) target(%dma_start3A_95 : memref<40x64xf32, #tpu.memory_space<vmem>>) offsets(%dma_start3A_97 : memref<40xi32, #tpu.memory_space<vmem>>) semaphore(%arg16 : memref<!tpu.dma_semaphore, #tpu.memory_space<semaphore_mem>>)
      %dma_start3A_101 = arith.constant 160 : i32
      %dma_start3A_102 = arith.constant 0 : i32
      %dma_start3A_103 = tpu.memref_slice %arg11[%dma_start3A_101, %dma_start3A_102] : memref<200x64xf32, #tpu.memory_space<vmem>> -> memref<40x64xf32, #tpu.memory_space<vmem>>
      %dma_start3A_104 = arith.constant 160 : i32
      %dma_start3A_105 = tpu.memref_slice %arg9[%dma_start3A_104] : memref<200xi32, #tpu.memory_space<vmem>> -> memref<40xi32, #tpu.memory_space<vmem>>
      %dma_start3A_106 = arith.constant 0 : i32
      %dma_start3A_107 = arith.constant 0 : i32
      %dma_start3A_108 = tpu.memref_slice %arg3[%dma_start3A_106, %dma_start3A_107] : memref<1000000x64xf32, #tpu.memory_space<hbm>> -> memref<1000000x64xf32, #tpu.memory_space<hbm>>
      tpu.enqueue_indirect_dma source(%dma_start3A_108 : memref<1000000x64xf32, #tpu.memory_space<hbm>>) target(%dma_start3A_103 : memref<40x64xf32, #tpu.memory_space<vmem>>) offsets(%dma_start3A_105 : memref<40xi32, #tpu.memory_space<vmem>>) semaphore(%arg16 : memref<!tpu.dma_semaphore, #tpu.memory_space<semaphore_mem>>)
      %scan3A_109 = arith.constant 0 : i32
      %scan3A_110 = arith.constant 0 : i32
      %scan3A_111 = arith.constant 200 : i32
      %scan3A_112 = arith.addi %scan3A_110, %scan3A_111 : i32
      %scan3A_113 = arith.constant 1 : i32
      scf.for %scan3A_144 = %scan3A_110 to %scan3A_112 step %scan3A_113  : i32 {
        %get3A = arith.index_cast %scan3A_144 : i32 to index
        %get3A_145 = arith.constant 0 : index
        %get3A_146 = tpu.vector_load %arg10[%get3A, %get3A_145] {strides = array<i32>} : memref<200x64xf32, #tpu.memory_space<vmem>>, vector<1x16xf32>,
        %get3A_147 = vector.shape_cast %get3A_146 : vector<1x16xf32> to vector<16xf32>
        %get3A_148 = arith.index_cast %scan3A_144 : i32 to index
        %get3A_149 = arith.constant 16 : index
        %get3A_150 = tpu.vector_load %arg10[%get3A_148, %get3A_149] {strides = array<i32>} : memref<200x64xf32, #tpu.memory_space<vmem>>, vector<1x16xf32>,
        %get3A_151 = vector.shape_cast %get3A_150 : vector<1x16xf32> to vector<16xf32>
        %get3A_152 = arith.index_cast %scan3A_144 : i32 to index
        %get3A_153 = arith.constant 32 : index
        %get3A_154 = tpu.vector_load %arg10[%get3A_152, %get3A_153] {strides = array<i32>} : memref<200x64xf32, #tpu.memory_space<vmem>>, vector<1x16xf32>,
        %get3A_155 = vector.shape_cast %get3A_154 : vector<1x16xf32> to vector<16xf32>
        %get3A_156 = arith.index_cast %scan3A_144 : i32 to index
        %get3A_157 = arith.constant 48 : index
        %get3A_158 = tpu.vector_load %arg10[%get3A_156, %get3A_157] {strides = array<i32>} : memref<200x64xf32, #tpu.memory_space<vmem>>, vector<1x16xf32>,
        %get3A_159 = vector.shape_cast %get3A_158 : vector<1x16xf32> to vector<16xf32>
        %get3A_160 = arith.index_cast %scan3A_144 : i32 to index
        %get3A_161 = arith.constant 0 : index
        %get3A_162 = tpu.vector_load %arg12[%get3A_160, %get3A_161] {strides = array<i32>} : memref<200x64xf32, #tpu.memory_space<vmem>>, vector<1x16xf32>,
        %get3A_163 = vector.shape_cast %get3A_162 : vector<1x16xf32> to vector<16xf32>
        %mul3A_164 = arith.mulf %get3A_147, %get3A_163 : vector<16xf32>
        %get3A_165 = arith.index_cast %scan3A_144 : i32 to index
        %get3A_166 = arith.constant 0 : index
        %get3A_167 = tpu.vector_load %arg13[%get3A_165, %get3A_166] {strides = array<i32>} : memref<200x64xf32, #tpu.memory_space<vmem>>, vector<1x16xf32>,
        %get3A_168 = vector.shape_cast %get3A_167 : vector<1x16xf32> to vector<16xf32>
        %mul3A_169 = arith.mulf %get3A_155, %get3A_168 : vector<16xf32>
        %add3A_170 = arith.addf %mul3A_164, %mul3A_169 : vector<16xf32>
        %get3A_171 = arith.index_cast %scan3A_144 : i32 to index
        %get3A_172 = arith.constant 0 : index
        %get3A_173 = tpu.vector_load %arg14[%get3A_171, %get3A_172] {strides = array<i32>} : memref<200x64xf32, #tpu.memory_space<vmem>>, vector<1x16xf32>,
        %get3A_174 = vector.shape_cast %get3A_173 : vector<1x16xf32> to vector<16xf32>
        %add3A_175 = arith.addf %add3A_170, %get3A_174 : vector<16xf32>
        %swap3A = arith.index_cast %scan3A_144 : i32 to index
        %swap3A_176 = arith.constant 0 : index
        %swap3A_177 = tpu.vector_load %arg10[%swap3A, %swap3A_176] {strides = array<i32>} : memref<200x64xf32, #tpu.memory_space<vmem>>, vector<1x16xf32>,
        %swap3A_178 = vector.shape_cast %swap3A_177 : vector<1x16xf32> to vector<16xf32>
        %swap3A_179 = vector.shape_cast %add3A_175 : vector<16xf32> to vector<1x16xf32>
        tpu.vector_store %arg10[%swap3A, %swap3A_176], %swap3A_179 {strides = array<i32>} : memref<200x64xf32, #tpu.memory_space<vmem>>, vector<1x16xf32>,
        %get3A_180 = arith.index_cast %scan3A_144 : i32 to index
        %get3A_181 = arith.constant 16 : index
        %get3A_182 = tpu.vector_load %arg12[%get3A_180, %get3A_181] {strides = array<i32>} : memref<200x64xf32, #tpu.memory_space<vmem>>, vector<1x16xf32>,
        %get3A_183 = vector.shape_cast %get3A_182 : vector<1x16xf32> to vector<16xf32>
        %mul3A_184 = arith.mulf %get3A_151, %get3A_183 : vector<16xf32>
        %get3A_185 = arith.index_cast %scan3A_144 : i32 to index
        %get3A_186 = arith.constant 16 : index
        %get3A_187 = tpu.vector_load %arg13[%get3A_185, %get3A_186] {strides = array<i32>} : memref<200x64xf32, #tpu.memory_space<vmem>>, vector<1x16xf32>,
        %get3A_188 = vector.shape_cast %get3A_187 : vector<1x16xf32> to vector<16xf32>
        %mul3A_189 = arith.mulf %get3A_159, %get3A_188 : vector<16xf32>
        %add3A_190 = arith.addf %mul3A_184, %mul3A_189 : vector<16xf32>
        %get3A_191 = arith.index_cast %scan3A_144 : i32 to index
        %get3A_192 = arith.constant 16 : index
        %get3A_193 = tpu.vector_load %arg14[%get3A_191, %get3A_192] {strides = array<i32>} : memref<200x64xf32, #tpu.memory_space<vmem>>, vector<1x16xf32>,
        %get3A_194 = vector.shape_cast %get3A_193 : vector<1x16xf32> to vector<16xf32>
        %add3A_195 = arith.addf %add3A_190, %get3A_194 : vector<16xf32>
        %swap3A_196 = arith.index_cast %scan3A_144 : i32 to index
        %swap3A_197 = arith.constant 16 : index
        %swap3A_198 = tpu.vector_load %arg10[%swap3A_196, %swap3A_197] {strides = array<i32>} : memref<200x64xf32, #tpu.memory_space<vmem>>, vector<1x16xf32>,
        %swap3A_199 = vector.shape_cast %swap3A_198 : vector<1x16xf32> to vector<16xf32>
        %swap3A_200 = vector.shape_cast %add3A_195 : vector<16xf32> to vector<1x16xf32>
        tpu.vector_store %arg10[%swap3A_196, %swap3A_197], %swap3A_200 {strides = array<i32>} : memref<200x64xf32, #tpu.memory_space<vmem>>, vector<1x16xf32>,
        %get3A_201 = arith.index_cast %scan3A_144 : i32 to index
        %get3A_202 = arith.constant 32 : index
        %get3A_203 = tpu.vector_load %arg12[%get3A_201, %get3A_202] {strides = array<i32>} : memref<200x64xf32, #tpu.memory_space<vmem>>, vector<1x16xf32>,
        %get3A_204 = vector.shape_cast %get3A_203 : vector<1x16xf32> to vector<16xf32>
        %mul3A_205 = arith.mulf %get3A_155, %get3A_204 : vector<16xf32>
        %get3A_206 = arith.index_cast %scan3A_144 : i32 to index
        %get3A_207 = arith.constant 32 : index
        %get3A_208 = tpu.vector_load %arg13[%get3A_206, %get3A_207] {strides = array<i32>} : memref<200x64xf32, #tpu.memory_space<vmem>>, vector<1x16xf32>,
        %get3A_209 = vector.shape_cast %get3A_208 : vector<1x16xf32> to vector<16xf32>
        %mul3A_210 = arith.mulf %get3A_147, %get3A_209 : vector<16xf32>
        %add3A_211 = arith.addf %mul3A_205, %mul3A_210 : vector<16xf32>
        %get3A_212 = arith.index_cast %scan3A_144 : i32 to index
        %get3A_213 = arith.constant 32 : index
        %get3A_214 = tpu.vector_load %arg14[%get3A_212, %get3A_213] {strides = array<i32>} : memref<200x64xf32, #tpu.memory_space<vmem>>, vector<1x16xf32>,
        %get3A_215 = vector.shape_cast %get3A_214 : vector<1x16xf32> to vector<16xf32>
        %add3A_216 = arith.addf %add3A_211, %get3A_215 : vector<16xf32>
        %swap3A_217 = arith.index_cast %scan3A_144 : i32 to index
        %swap3A_218 = arith.constant 32 : index
        %swap3A_219 = tpu.vector_load %arg10[%swap3A_217, %swap3A_218] {strides = array<i32>} : memref<200x64xf32, #tpu.memory_space<vmem>>, vector<1x16xf32>,
        %swap3A_220 = vector.shape_cast %swap3A_219 : vector<1x16xf32> to vector<16xf32>
        %swap3A_221 = vector.shape_cast %add3A_216 : vector<16xf32> to vector<1x16xf32>
        tpu.vector_store %arg10[%swap3A_217, %swap3A_218], %swap3A_221 {strides = array<i32>} : memref<200x64xf32, #tpu.memory_space<vmem>>, vector<1x16xf32>,
        %get3A_222 = arith.index_cast %scan3A_144 : i32 to index
        %get3A_223 = arith.constant 48 : index
        %get3A_224 = tpu.vector_load %arg12[%get3A_222, %get3A_223] {strides = array<i32>} : memref<200x64xf32, #tpu.memory_space<vmem>>, vector<1x16xf32>,
        %get3A_225 = vector.shape_cast %get3A_224 : vector<1x16xf32> to vector<16xf32>
        %mul3A_226 = arith.mulf %get3A_159, %get3A_225 : vector<16xf32>
        %get3A_227 = arith.index_cast %scan3A_144 : i32 to index
        %get3A_228 = arith.constant 48 : index
        %get3A_229 = tpu.vector_load %arg13[%get3A_227, %get3A_228] {strides = array<i32>} : memref<200x64xf32, #tpu.memory_space<vmem>>, vector<1x16xf32>,
        %get3A_230 = vector.shape_cast %get3A_229 : vector<1x16xf32> to vector<16xf32>
        %mul3A_231 = arith.mulf %get3A_151, %get3A_230 : vector<16xf32>
        %add3A_232 = arith.addf %mul3A_226, %mul3A_231 : vector<16xf32>
        %get3A_233 = arith.index_cast %scan3A_144 : i32 to index
        %get3A_234 = arith.constant 48 : index
        %get3A_235 = tpu.vector_load %arg14[%get3A_233, %get3A_234] {strides = array<i32>} : memref<200x64xf32, #tpu.memory_space<vmem>>, vector<1x16xf32>,
        %get3A_236 = vector.shape_cast %get3A_235 : vector<1x16xf32> to vector<16xf32>
        %add3A_237 = arith.addf %add3A_232, %get3A_236 : vector<16xf32>
        %swap3A_238 = arith.index_cast %scan3A_144 : i32 to index
        %swap3A_239 = arith.constant 48 : index
        %swap3A_240 = tpu.vector_load %arg10[%swap3A_238, %swap3A_239] {strides = array<i32>} : memref<200x64xf32, #tpu.memory_space<vmem>>, vector<1x16xf32>,
        %swap3A_241 = vector.shape_cast %swap3A_240 : vector<1x16xf32> to vector<16xf32>
        %swap3A_242 = vector.shape_cast %add3A_237 : vector<16xf32> to vector<1x16xf32>
        tpu.vector_store %arg10[%swap3A_238, %swap3A_239], %swap3A_242 {strides = array<i32>} : memref<200x64xf32, #tpu.memory_space<vmem>>, vector<1x16xf32>,
      }
      %scan3A_114 = arith.constant 200 : i32
      %mul3A_115 = arith.constant 200 : i32
      %mul3A_116 = arith.muli %mul3A_58, %mul3A_115 : i32
      %add3A_117 = arith.addi %mul3A_2, %mul3A_116 : i32
      %dma_start3A_118 = arith.constant 0 : i32
      %dma_start3A_119 = tpu.memref_slice %arg7[%add3A_117, %dma_start3A_118] : memref<819200x64xf32, #tpu.memory_space<hbm>> -> memref<200x64xf32, #tpu.memory_space<hbm>>
      %dma_start3A_120 = arith.constant 0 : i32
      %dma_start3A_121 = tpu.memref_slice %arg7[%add3A_117, %dma_start3A_120] : memref<819200x64xf32, #tpu.memory_space<hbm>> -> memref<200x64xf32, #tpu.memory_space<hbm>>
      tpu.enqueue_dma source(%arg10 : memref<200x64xf32, #tpu.memory_space<vmem>>) target(%dma_start3A_121 : memref<200x64xf32, #tpu.memory_space<hbm>>) target_semaphore(%arg17 : memref<!tpu.dma_semaphore, #tpu.memory_space<semaphore_mem>>)
      %dma_wait3A_122 = arith.constant 0 : i32
      %dma_wait3A_123 = arith.constant 0 : i32
      %dma_wait3A_124 = tpu.memref_slice %arg3[%dma_wait3A_122, %dma_wait3A_123] : memref<1000000x64xf32, #tpu.memory_space<hbm>> -> memref<1000000x64xf32, #tpu.memory_space<hbm>>
      tpu.wait_indirect_dma semaphore(%arg16 : memref<!tpu.dma_semaphore, #tpu.memory_space<semaphore_mem>>) src(%dma_wait3A_124 : memref<1000000x64xf32, #tpu.memory_space<hbm>>) dst(%arg11 : memref<200x64xf32, #tpu.memory_space<vmem>>)
      %lt3A = arith.constant 63 : i32
      %lt3A_125 = arith.cmpi slt, %scan3A_56, %lt3A : i32
      %convert_element_type3A_126 = arith.extui %lt3A_125 : i1 to i32
      %cond3A_127 = arith.constant 0 : i32
      %cond3A_128 = arith.cmpi ne, %convert_element_type3A_126, %cond3A_127 : i32
      scf.if %cond3A_128 {
        %dma_wait3A_144 = arith.constant 0 : i32
        %dma_wait3A_145 = tpu.memref_slice %arg7[%mul3A_2, %dma_wait3A_144] : memref<819200x64xf32, #tpu.memory_space<hbm>> -> memref<200x64xf32, #tpu.memory_space<hbm>>
        %dma_wait3A_146 = arith.constant 0 : i32
        %dma_wait3A_147 = tpu.memref_slice %arg7[%mul3A_2, %dma_wait3A_146] : memref<819200x64xf32, #tpu.memory_space<hbm>> -> memref<200x64xf32, #tpu.memory_space<hbm>>
        tpu.wait_dma2 semaphore(%arg17 : memref<!tpu.dma_semaphore, #tpu.memory_space<semaphore_mem>>) src(%arg10 : memref<200x64xf32, #tpu.memory_space<vmem>>) dst(%dma_wait3A_147 : memref<200x64xf32, #tpu.memory_space<hbm>>)
        %add3A_148 = arith.constant 2 : i32
        %add3A_149 = arith.addi %mul3A_58, %add3A_148 : i32
        %mul3A_150 = arith.constant 200 : i32
        %mul3A_151 = arith.muli %add3A_149, %mul3A_150 : i32
        %add3A_152 = arith.addi %mul3A_2, %mul3A_151 : i32
        "tpu.region"() ({
          %run_scoped3A = tpu.sem_alloc : memref<!tpu.dma_semaphore, #tpu.memory_space<semaphore_mem>>
          %dma_start3A_193 = tpu.memref_slice %arg2[%add3A_152] : memref<819200xi32, #tpu.memory_space<hbm>> -> memref<200xi32, #tpu.memory_space<hbm>>
          %dma_start3A_194 = tpu.memref_slice %arg2[%add3A_152] : memref<819200xi32, #tpu.memory_space<hbm>> -> memref<200xi32, #tpu.memory_space<hbm>>
          tpu.enqueue_dma source(%dma_start3A_194 : memref<200xi32, #tpu.memory_space<hbm>>) target(%arg8 : memref<200xi32, #tpu.memory_space<vmem>>) target_semaphore(%run_scoped3A : memref<!tpu.dma_semaphore, #tpu.memory_space<semaphore_mem>>)
          %dma_wait3A_195 = tpu.memref_slice %arg2[%add3A_152] : memref<819200xi32, #tpu.memory_space<hbm>> -> memref<200xi32, #tpu.memory_space<hbm>>
          %dma_wait3A_196 = tpu.memref_slice %arg2[%add3A_152] : memref<819200xi32, #tpu.memory_space<hbm>> -> memref<200xi32, #tpu.memory_space<hbm>>
          tpu.wait_dma2 semaphore(%run_scoped3A : memref<!tpu.dma_semaphore, #tpu.memory_space<semaphore_mem>>) src(%dma_wait3A_196 : memref<200xi32, #tpu.memory_space<hbm>>) dst(%arg8 : memref<200xi32, #tpu.memory_space<vmem>>)
          tpu.yield
        }) : () -> ()
        %dma_start3A_153 = arith.constant 0 : i32
        %dma_start3A_154 = arith.constant 0 : i32
        %dma_start3A_155 = tpu.memref_slice %arg10[%dma_start3A_153, %dma_start3A_154] : memref<200x64xf32, #tpu.memory_space<vmem>> -> memref<40x64xf32, #tpu.memory_space<vmem>>
        %dma_start3A_156 = arith.constant 0 : i32
        %dma_start3A_157 = tpu.memref_slice %arg8[%dma_start3A_156] : memref<200xi32, #tpu.memory_space<vmem>> -> memref<40xi32, #tpu.memory_space<vmem>>
        %dma_start3A_158 = arith.constant 0 : i32
        %dma_start3A_159 = arith.constant 0 : i32
        %dma_start3A_160 = tpu.memref_slice %arg3[%dma_start3A_158, %dma_start3A_159] : memref<1000000x64xf32, #tpu.memory_space<hbm>> -> memref<1000000x64xf32, #tpu.memory_space<hbm>>
        tpu.enqueue_indirect_dma source(%dma_start3A_160 : memref<1000000x64xf32, #tpu.memory_space<hbm>>) target(%dma_start3A_155 : memref<40x64xf32, #tpu.memory_space<vmem>>) offsets(%dma_start3A_157 : memref<40xi32, #tpu.memory_space<vmem>>) semaphore(%arg15 : memref<!tpu.dma_semaphore, #tpu.memory_space<semaphore_mem>>)
        %dma_start3A_161 = arith.constant 40 : i32
        %dma_start3A_162 = arith.constant 0 : i32
        %dma_start3A_163 = tpu.memref_slice %arg10[%dma_start3A_161, %dma_start3A_162] : memref<200x64xf32, #tpu.memory_space<vmem>> -> memref<40x64xf32, #tpu.memory_space<vmem>>
        %dma_start3A_164 = arith.constant 40 : i32
        %dma_start3A_165 = tpu.memref_slice %arg8[%dma_start3A_164] : memref<200xi32, #tpu.memory_space<vmem>> -> memref<40xi32, #tpu.memory_space<vmem>>
        %dma_start3A_166 = arith.constant 0 : i32
        %dma_start3A_167 = arith.constant 0 : i32
        %dma_start3A_168 = tpu.memref_slice %arg3[%dma_start3A_166, %dma_start3A_167] : memref<1000000x64xf32, #tpu.memory_space<hbm>> -> memref<1000000x64xf32, #tpu.memory_space<hbm>>
        tpu.enqueue_indirect_dma source(%dma_start3A_168 : memref<1000000x64xf32, #tpu.memory_space<hbm>>) target(%dma_start3A_163 : memref<40x64xf32, #tpu.memory_space<vmem>>) offsets(%dma_start3A_165 : memref<40xi32, #tpu.memory_space<vmem>>) semaphore(%arg15 : memref<!tpu.dma_semaphore, #tpu.memory_space<semaphore_mem>>)
        %dma_start3A_169 = arith.constant 80 : i32
        %dma_start3A_170 = arith.constant 0 : i32
        %dma_start3A_171 = tpu.memref_slice %arg10[%dma_start3A_169, %dma_start3A_170] : memref<200x64xf32, #tpu.memory_space<vmem>> -> memref<40x64xf32, #tpu.memory_space<vmem>>
        %dma_start3A_172 = arith.constant 80 : i32
        %dma_start3A_173 = tpu.memref_slice %arg8[%dma_start3A_172] : memref<200xi32, #tpu.memory_space<vmem>> -> memref<40xi32, #tpu.memory_space<vmem>>
        %dma_start3A_174 = arith.constant 0 : i32
        %dma_start3A_175 = arith.constant 0 : i32
        %dma_start3A_176 = tpu.memref_slice %arg3[%dma_start3A_174, %dma_start3A_175] : memref<1000000x64xf32, #tpu.memory_space<hbm>> -> memref<1000000x64xf32, #tpu.memory_space<hbm>>
        tpu.enqueue_indirect_dma source(%dma_start3A_176 : memref<1000000x64xf32, #tpu.memory_space<hbm>>) target(%dma_start3A_171 : memref<40x64xf32, #tpu.memory_space<vmem>>) offsets(%dma_start3A_173 : memref<40xi32, #tpu.memory_space<vmem>>) semaphore(%arg15 : memref<!tpu.dma_semaphore, #tpu.memory_space<semaphore_mem>>)
        %dma_start3A_177 = arith.constant 120 : i32
        %dma_start3A_178 = arith.constant 0 : i32
        %dma_start3A_179 = tpu.memref_slice %arg10[%dma_start3A_177, %dma_start3A_178] : memref<200x64xf32, #tpu.memory_space<vmem>> -> memref<40x64xf32, #tpu.memory_space<vmem>>
        %dma_start3A_180 = arith.constant 120 : i32
        %dma_start3A_181 = tpu.memref_slice %arg8[%dma_start3A_180] : memref<200xi32, #tpu.memory_space<vmem>> -> memref<40xi32, #tpu.memory_space<vmem>>
        %dma_start3A_182 = arith.constant 0 : i32
        %dma_start3A_183 = arith.constant 0 : i32
        %dma_start3A_184 = tpu.memref_slice %arg3[%dma_start3A_182, %dma_start3A_183] : memref<1000000x64xf32, #tpu.memory_space<hbm>> -> memref<1000000x64xf32, #tpu.memory_space<hbm>>
        tpu.enqueue_indirect_dma source(%dma_start3A_184 : memref<1000000x64xf32, #tpu.memory_space<hbm>>) target(%dma_start3A_179 : memref<40x64xf32, #tpu.memory_space<vmem>>) offsets(%dma_start3A_181 : memref<40xi32, #tpu.memory_space<vmem>>) semaphore(%arg15 : memref<!tpu.dma_semaphore, #tpu.memory_space<semaphore_mem>>)
        %dma_start3A_185 = arith.constant 160 : i32
        %dma_start3A_186 = arith.constant 0 : i32
        %dma_start3A_187 = tpu.memref_slice %arg10[%dma_start3A_185, %dma_start3A_186] : memref<200x64xf32, #tpu.memory_space<vmem>> -> memref<40x64xf32, #tpu.memory_space<vmem>>
        %dma_start3A_188 = arith.constant 160 : i32
        %dma_start3A_189 = tpu.memref_slice %arg8[%dma_start3A_188] : memref<200xi32, #tpu.memory_space<vmem>> -> memref<40xi32, #tpu.memory_space<vmem>>
        %dma_start3A_190 = arith.constant 0 : i32
        %dma_start3A_191 = arith.constant 0 : i32
        %dma_start3A_192 = tpu.memref_slice %arg3[%dma_start3A_190, %dma_start3A_191] : memref<1000000x64xf32, #tpu.memory_space<hbm>> -> memref<1000000x64xf32, #tpu.memory_space<hbm>>
        tpu.enqueue_indirect_dma source(%dma_start3A_192 : memref<1000000x64xf32, #tpu.memory_space<hbm>>) target(%dma_start3A_187 : memref<40x64xf32, #tpu.memory_space<vmem>>) offsets(%dma_start3A_189 : memref<40xi32, #tpu.memory_space<vmem>>) semaphore(%arg15 : memref<!tpu.dma_semaphore, #tpu.memory_space<semaphore_mem>>)
      } else {
      }
      %scan3A_129 = arith.constant 0 : i32
      %scan3A_130 = arith.constant 0 : i32
      %scan3A_131 = arith.constant 200 : i32
      %scan3A_132 = arith.addi %scan3A_130, %scan3A_131 : i32
      %scan3A_133 = arith.constant 1 : i32
      scf.for %scan3A_144 = %scan3A_130 to %scan3A_132 step %scan3A_133  : i32 {
        %get3A = arith.index_cast %scan3A_144 : i32 to index
        %get3A_145 = arith.constant 0 : index
        %get3A_146 = tpu.vector_load %arg11[%get3A, %get3A_145] {strides = array<i32>} : memref<200x64xf32, #tpu.memory_space<vmem>>, vector<1x16xf32>,
        %get3A_147 = vector.shape_cast %get3A_146 : vector<1x16xf32> to vector<16xf32>
        %get3A_148 = arith.index_cast %scan3A_144 : i32 to index
        %get3A_149 = arith.constant 16 : index
        %get3A_150 = tpu.vector_load %arg11[%get3A_148, %get3A_149] {strides = array<i32>} : memref<200x64xf32, #tpu.memory_space<vmem>>, vector<1x16xf32>,
        %get3A_151 = vector.shape_cast %get3A_150 : vector<1x16xf32> to vector<16xf32>
        %get3A_152 = arith.index_cast %scan3A_144 : i32 to index
        %get3A_153 = arith.constant 32 : index
        %get3A_154 = tpu.vector_load %arg11[%get3A_152, %get3A_153] {strides = array<i32>} : memref<200x64xf32, #tpu.memory_space<vmem>>, vector<1x16xf32>,
        %get3A_155 = vector.shape_cast %get3A_154 : vector<1x16xf32> to vector<16xf32>
        %get3A_156 = arith.index_cast %scan3A_144 : i32 to index
        %get3A_157 = arith.constant 48 : index
        %get3A_158 = tpu.vector_load %arg11[%get3A_156, %get3A_157] {strides = array<i32>} : memref<200x64xf32, #tpu.memory_space<vmem>>, vector<1x16xf32>,
        %get3A_159 = vector.shape_cast %get3A_158 : vector<1x16xf32> to vector<16xf32>
        %get3A_160 = arith.index_cast %scan3A_144 : i32 to index
        %get3A_161 = arith.constant 0 : index
        %get3A_162 = tpu.vector_load %arg12[%get3A_160, %get3A_161] {strides = array<i32>} : memref<200x64xf32, #tpu.memory_space<vmem>>, vector<1x16xf32>,
        %get3A_163 = vector.shape_cast %get3A_162 : vector<1x16xf32> to vector<16xf32>
        %mul3A_164 = arith.mulf %get3A_147, %get3A_163 : vector<16xf32>
        %get3A_165 = arith.index_cast %scan3A_144 : i32 to index
        %get3A_166 = arith.constant 0 : index
        %get3A_167 = tpu.vector_load %arg13[%get3A_165, %get3A_166] {strides = array<i32>} : memref<200x64xf32, #tpu.memory_space<vmem>>, vector<1x16xf32>,
        %get3A_168 = vector.shape_cast %get3A_167 : vector<1x16xf32> to vector<16xf32>
        %mul3A_169 = arith.mulf %get3A_155, %get3A_168 : vector<16xf32>
        %add3A_170 = arith.addf %mul3A_164, %mul3A_169 : vector<16xf32>
        %get3A_171 = arith.index_cast %scan3A_144 : i32 to index
        %get3A_172 = arith.constant 0 : index
        %get3A_173 = tpu.vector_load %arg14[%get3A_171, %get3A_172] {strides = array<i32>} : memref<200x64xf32, #tpu.memory_space<vmem>>, vector<1x16xf32>,
        %get3A_174 = vector.shape_cast %get3A_173 : vector<1x16xf32> to vector<16xf32>
        %add3A_175 = arith.addf %add3A_170, %get3A_174 : vector<16xf32>
        %swap3A = arith.index_cast %scan3A_144 : i32 to index
        %swap3A_176 = arith.constant 0 : index
        %swap3A_177 = tpu.vector_load %arg11[%swap3A, %swap3A_176] {strides = array<i32>} : memref<200x64xf32, #tpu.memory_space<vmem>>, vector<1x16xf32>,
        %swap3A_178 = vector.shape_cast %swap3A_177 : vector<1x16xf32> to vector<16xf32>
        %swap3A_179 = vector.shape_cast %add3A_175 : vector<16xf32> to vector<1x16xf32>
        tpu.vector_store %arg11[%swap3A, %swap3A_176], %swap3A_179 {strides = array<i32>} : memref<200x64xf32, #tpu.memory_space<vmem>>, vector<1x16xf32>,
        %get3A_180 = arith.index_cast %scan3A_144 : i32 to index
        %get3A_181 = arith.constant 16 : index
        %get3A_182 = tpu.vector_load %arg12[%get3A_180, %get3A_181] {strides = array<i32>} : memref<200x64xf32, #tpu.memory_space<vmem>>, vector<1x16xf32>,
        %get3A_183 = vector.shape_cast %get3A_182 : vector<1x16xf32> to vector<16xf32>
        %mul3A_184 = arith.mulf %get3A_151, %get3A_183 : vector<16xf32>
        %get3A_185 = arith.index_cast %scan3A_144 : i32 to index
        %get3A_186 = arith.constant 16 : index
        %get3A_187 = tpu.vector_load %arg13[%get3A_185, %get3A_186] {strides = array<i32>} : memref<200x64xf32, #tpu.memory_space<vmem>>, vector<1x16xf32>,
        %get3A_188 = vector.shape_cast %get3A_187 : vector<1x16xf32> to vector<16xf32>
        %mul3A_189 = arith.mulf %get3A_159, %get3A_188 : vector<16xf32>
        %add3A_190 = arith.addf %mul3A_184, %mul3A_189 : vector<16xf32>
        %get3A_191 = arith.index_cast %scan3A_144 : i32 to index
        %get3A_192 = arith.constant 16 : index
        %get3A_193 = tpu.vector_load %arg14[%get3A_191, %get3A_192] {strides = array<i32>} : memref<200x64xf32, #tpu.memory_space<vmem>>, vector<1x16xf32>,
        %get3A_194 = vector.shape_cast %get3A_193 : vector<1x16xf32> to vector<16xf32>
        %add3A_195 = arith.addf %add3A_190, %get3A_194 : vector<16xf32>
        %swap3A_196 = arith.index_cast %scan3A_144 : i32 to index
        %swap3A_197 = arith.constant 16 : index
        %swap3A_198 = tpu.vector_load %arg11[%swap3A_196, %swap3A_197] {strides = array<i32>} : memref<200x64xf32, #tpu.memory_space<vmem>>, vector<1x16xf32>,
        %swap3A_199 = vector.shape_cast %swap3A_198 : vector<1x16xf32> to vector<16xf32>
        %swap3A_200 = vector.shape_cast %add3A_195 : vector<16xf32> to vector<1x16xf32>
        tpu.vector_store %arg11[%swap3A_196, %swap3A_197], %swap3A_200 {strides = array<i32>} : memref<200x64xf32, #tpu.memory_space<vmem>>, vector<1x16xf32>,
        %get3A_201 = arith.index_cast %scan3A_144 : i32 to index
        %get3A_202 = arith.constant 32 : index
        %get3A_203 = tpu.vector_load %arg12[%get3A_201, %get3A_202] {strides = array<i32>} : memref<200x64xf32, #tpu.memory_space<vmem>>, vector<1x16xf32>,
        %get3A_204 = vector.shape_cast %get3A_203 : vector<1x16xf32> to vector<16xf32>
        %mul3A_205 = arith.mulf %get3A_155, %get3A_204 : vector<16xf32>
        %get3A_206 = arith.index_cast %scan3A_144 : i32 to index
        %get3A_207 = arith.constant 32 : index
        %get3A_208 = tpu.vector_load %arg13[%get3A_206, %get3A_207] {strides = array<i32>} : memref<200x64xf32, #tpu.memory_space<vmem>>, vector<1x16xf32>,
        %get3A_209 = vector.shape_cast %get3A_208 : vector<1x16xf32> to vector<16xf32>
        %mul3A_210 = arith.mulf %get3A_147, %get3A_209 : vector<16xf32>
        %add3A_211 = arith.addf %mul3A_205, %mul3A_210 : vector<16xf32>
        %get3A_212 = arith.index_cast %scan3A_144 : i32 to index
        %get3A_213 = arith.constant 32 : index
        %get3A_214 = tpu.vector_load %arg14[%get3A_212, %get3A_213] {strides = array<i32>} : memref<200x64xf32, #tpu.memory_space<vmem>>, vector<1x16xf32>,
        %get3A_215 = vector.shape_cast %get3A_214 : vector<1x16xf32> to vector<16xf32>
        %add3A_216 = arith.addf %add3A_211, %get3A_215 : vector<16xf32>
        %swap3A_217 = arith.index_cast %scan3A_144 : i32 to index
        %swap3A_218 = arith.constant 32 : index
        %swap3A_219 = tpu.vector_load %arg11[%swap3A_217, %swap3A_218] {strides = array<i32>} : memref<200x64xf32, #tpu.memory_space<vmem>>, vector<1x16xf32>,
        %swap3A_220 = vector.shape_cast %swap3A_219 : vector<1x16xf32> to vector<16xf32>
        %swap3A_221 = vector.shape_cast %add3A_216 : vector<16xf32> to vector<1x16xf32>
        tpu.vector_store %arg11[%swap3A_217, %swap3A_218], %swap3A_221 {strides = array<i32>} : memref<200x64xf32, #tpu.memory_space<vmem>>, vector<1x16xf32>,
        %get3A_222 = arith.index_cast %scan3A_144 : i32 to index
        %get3A_223 = arith.constant 48 : index
        %get3A_224 = tpu.vector_load %arg12[%get3A_222, %get3A_223] {strides = array<i32>} : memref<200x64xf32, #tpu.memory_space<vmem>>, vector<1x16xf32>,
        %get3A_225 = vector.shape_cast %get3A_224 : vector<1x16xf32> to vector<16xf32>
        %mul3A_226 = arith.mulf %get3A_159, %get3A_225 : vector<16xf32>
        %get3A_227 = arith.index_cast %scan3A_144 : i32 to index
        %get3A_228 = arith.constant 48 : index
        %get3A_229 = tpu.vector_load %arg13[%get3A_227, %get3A_228] {strides = array<i32>} : memref<200x64xf32, #tpu.memory_space<vmem>>, vector<1x16xf32>,
        %get3A_230 = vector.shape_cast %get3A_229 : vector<1x16xf32> to vector<16xf32>
        %mul3A_231 = arith.mulf %get3A_151, %get3A_230 : vector<16xf32>
        %add3A_232 = arith.addf %mul3A_226, %mul3A_231 : vector<16xf32>
        %get3A_233 = arith.index_cast %scan3A_144 : i32 to index
        %get3A_234 = arith.constant 48 : index
        %get3A_235 = tpu.vector_load %arg14[%get3A_233, %get3A_234] {strides = array<i32>} : memref<200x64xf32, #tpu.memory_space<vmem>>, vector<1x16xf32>,
        %get3A_236 = vector.shape_cast %get3A_235 : vector<1x16xf32> to vector<16xf32>
        %add3A_237 = arith.addf %add3A_232, %get3A_236 : vector<16xf32>
        %swap3A_238 = arith.index_cast %scan3A_144 : i32 to index
        %swap3A_239 = arith.constant 48 : index
        %swap3A_240 = tpu.vector_load %arg11[%swap3A_238, %swap3A_239] {strides = array<i32>} : memref<200x64xf32, #tpu.memory_space<vmem>>, vector<1x16xf32>,
        %swap3A_241 = vector.shape_cast %swap3A_240 : vector<1x16xf32> to vector<16xf32>
        %swap3A_242 = vector.shape_cast %add3A_237 : vector<16xf32> to vector<1x16xf32>
        tpu.vector_store %arg11[%swap3A_238, %swap3A_239], %swap3A_242 {strides = array<i32>} : memref<200x64xf32, #tpu.memory_space<vmem>>, vector<1x16xf32>,
      }
      %scan3A_134 = arith.constant 200 : i32
      %add3A_135 = arith.constant 1 : i32
      %add3A_136 = arith.addi %mul3A_58, %add3A_135 : i32
      %mul3A_137 = arith.constant 200 : i32
      %mul3A_138 = arith.muli %add3A_136, %mul3A_137 : i32
      %add3A_139 = arith.addi %mul3A_2, %mul3A_138 : i32
      %dma_start3A_140 = arith.constant 0 : i32
      %dma_start3A_141 = tpu.memref_slice %arg7[%add3A_139, %dma_start3A_140] : memref<819200x64xf32, #tpu.memory_space<hbm>> -> memref<200x64xf32, #tpu.memory_space<hbm>>
      %dma_start3A_142 = arith.constant 0 : i32
      %dma_start3A_143 = tpu.memref_slice %arg7[%add3A_139, %dma_start3A_142] : memref<819200x64xf32, #tpu.memory_space<hbm>> -> memref<200x64xf32, #tpu.memory_space<hbm>>
      tpu.enqueue_dma source(%arg11 : memref<200x64xf32, #tpu.memory_space<vmem>>) target(%dma_start3A_143 : memref<200x64xf32, #tpu.memory_space<hbm>>) target_semaphore(%arg18 : memref<!tpu.dma_semaphore, #tpu.memory_space<semaphore_mem>>)
    }
    %scan3A_48 = arith.constant 64 : i32
    %dma_wait3A = arith.constant 0 : i32
    %dma_wait3A_49 = tpu.memref_slice %arg7[%mul3A_2, %dma_wait3A] : memref<819200x64xf32, #tpu.memory_space<hbm>> -> memref<200x64xf32, #tpu.memory_space<hbm>>
    %dma_wait3A_50 = arith.constant 0 : i32
    %dma_wait3A_51 = tpu.memref_slice %arg7[%mul3A_2, %dma_wait3A_50] : memref<819200x64xf32, #tpu.memory_space<hbm>> -> memref<200x64xf32, #tpu.memory_space<hbm>>
    tpu.wait_dma2 semaphore(%arg17 : memref<!tpu.dma_semaphore, #tpu.memory_space<semaphore_mem>>) src(%arg10 : memref<200x64xf32, #tpu.memory_space<vmem>>) dst(%dma_wait3A_51 : memref<200x64xf32, #tpu.memory_space<hbm>>)
    %dma_wait3A_52 = arith.constant 0 : i32
    %dma_wait3A_53 = tpu.memref_slice %arg7[%mul3A_2, %dma_wait3A_52] : memref<819200x64xf32, #tpu.memory_space<hbm>> -> memref<200x64xf32, #tpu.memory_space<hbm>>
    %dma_wait3A_54 = arith.constant 0 : i32
    %dma_wait3A_55 = tpu.memref_slice %arg7[%mul3A_2, %dma_wait3A_54] : memref<819200x64xf32, #tpu.memory_space<hbm>> -> memref<200x64xf32, #tpu.memory_space<hbm>>
    tpu.wait_dma2 semaphore(%arg18 : memref<!tpu.dma_semaphore, #tpu.memory_space<semaphore_mem>>) src(%arg11 : memref<200x64xf32, #tpu.memory_space<vmem>>) dst(%dma_wait3A_55 : memref<200x64xf32, #tpu.memory_space<hbm>>)
    return
  }
}

</mosaic_0001>

<sc_bundles>
// kernel: kernel.3.cloned.1.call-start
scs
__scs_entry_jumppad:
0x0: {  	(pc) =	sbr.rel $0x88, $3  }
0x1: {  	(tag) =	ssettag $0x0;
	lr =	simm.s32 $0x1  }
0x2: {  	[smem:$0x3F9E] =	sst lr;
	_ =	strace $0xD0000000  }
0x3: {  	_ = 	snop  }
0x4: {  	_ = 	snop  }
0x5: {  	_ = 	snop  }
0x6: {  	_ = 	snop  }
0x7: {  	_ = 	snop  }
__scs_overlays_trampoline_lowered:
0x8: {  	[smem:$0x3FAD] =	sst s0  }
0x9: {  	[smem:$0x3FAE] =	sst s1  }
0xa: {  	[smem:$0x3FAF] =	sst s2  }
0xb: {  	[smem:$0x3FB0] =	sst s3  }
0xc: {  	[smem:$0x3FB1] =	sst s4  }
0xd: {  	[smem:$0x3FB2] =	sst s5  }
0xe: {  	[smem:$0x3FB3] =	sst s6  }
0xf: {  	[smem:$0x3FB4] =	sst s7  }
0x10: {  	[smem:$0x3FB5] =	sst s8  }
0x11: {  	[smem:$0x3FB6] =	sst s9;
	s0 =	simm.s32 @!p0 $0x0  }
0x12: {  	s1 =	sld [smem:$0x3F9C];
	s0 =	simm.s32 @p0 $0x1  }
0x13: {  	[smem:$0x3FB7] =	sst s0;
	s0 =	simm.s32 @!p1 $0x0  }
0x14: {  	s2 =	sld [smem:$0x3F9B];
	s0 =	simm.s32 @p1 $0x1  }
0x15: {  	[smem:$0x3FB8] =	sst s0;
	s0 =	simm.s32 @!p2 $0x0  }
0x16: {  	s3 =	sld [smem:$0x3FDB];
	s0 =	simm.s32 @p2 $0x1  }
0x17: {  	s4 =	simm.s32 $0x1BF5;
	[smem:$0x3FBA] =	sst s0  }
0x18: {  	s0 =	sld [smem:$0x3F9D];
	_ =	swait.ge [sflag:s4], $0x0  }
0x19: {  	s7 =	sld [smem:$0x3F9E]  }
0x1a: {  	s8 =	sadd.s32 $0xFFFFE003, lr  }
0x1b: {  	s9 =	sadd.s32 $0xFFFFFEF7, lr;
	s5 =	simm.s32 $0xFFFFFFFF;
	p2 =	slt.u32 s8, $0xFFFFF086  }
0x1c: {  	p1 =	slt.u32 s9, $0xF7A;
	s5 =	simm.s32 @!p2 $0x0  }
0x1d: {  	s5 =	simm.s32 @p1 $0x1;
	p0 =	seq.s32 s7, s2  }
0x1e: {  	s7 =	smul.u32 @!p0 $0xF7A, s2;
	p2 =	seq.s32 @!p0 s5, $0x0  }
0x1f: {  	s9 =	smul.u32 $0xF7A, s1;
	s8 =	simm.s32 @!p0 $0x1BF5;
	p2 =	por !p2, p0  }
0x20: {  	[sflag:s8] =	ssyncset.s32 @!p0 $0xFFFFF086;
	s6 =	sadd.s32 @!p0 s3, s7;
	s7 =	simm.s32 @!p0 $0x108  }
0x21: {  	s3 =	sadd.s32 s3, s9;
	s6 =	sadd.s32 @!p0 $0x88, s6;
	s7 =	simm.s32 @p2 $0x1082  }
0x22: {  	[simem:s7], [sflag:s8] =	dma.local @!p0 [hbm:s6], $0xF7A  }
0x23: {  	s9 =	sor.u32 $0xD0000000, s2;
	s6 =	simm.s32 $0x108;
	_ =	swait.ge @!p0 [sflag:s8], $0x0  }
0x24: {  	s3 =	sadd.s32 $0x88, s3;
	s6 =	simm.s32 @!p1 $0x1082;
	[sflag:s4] =	ssyncset.s32 $0xFFFFF086  }
0x25: {  	[simem:s6], [sflag:s4] =	dma.local [hbm:s3], $0xF7A  }
0x26: {  	[smem:$0x3F9E] =	sst s1;
	(tag) =	ssettag s2;
	_ =	strace s9  }
0x27: {  	s1 =	sld [smem:$0x3FAE]  }
0x28: {  	s2 =	sld [smem:$0x3FAF]  }
0x29: {  	s4 =	sld [smem:$0x3FB1]  }
0x2a: {  	p0 =	seq.s32 s5, $0x0;
	s5 =	sld [smem:$0x3FB2]  }
0x2b: {  	s6 =	sld [smem:$0x3FB3]  }
0x2c: {  	s7 =	sld [smem:$0x3FB4]  }
0x2d: {  	s3 =	simm.s32 $0x108;
	s8 =	sld [smem:$0x3FB5]  }
0x2e: {  	s3 =	simm.s32 @!p0 $0x1082;
	s9 =	sld [smem:$0x3FB6]  }
0x2f: {  	lr =	sadd.s32 s0, s3;
	s0 =	sld [smem:$0x3FAD]  }
0x30: {  	s3 =	sld [smem:$0x3FB0]  }
0x31: {  	[smem:$0x3FB9] =	sst s10  }
0x32: {  	s10 =	sld [smem:$0x3FB7];
	_ =	sdelay $0x3  }
0x33: {  	p0 =	seq.s32 s10, $0x1;
	s10 =	sld [smem:$0x3FB9];
	_ =	sdelay $0x3  }
0x34: {  	[smem:$0x3FB9] =	sst s10  }
0x35: {  	s10 =	sld [smem:$0x3FB8];
	_ =	sdelay $0x3  }
0x36: {  	p1 =	seq.s32 s10, $0x1;
	s10 =	sld [smem:$0x3FB9];
	_ =	sdelay $0x3  }
0x37: {  	[smem:$0x3FB9] =	sst s10  }
0x38: {  	s10 =	sld [smem:$0x3FBA]  }
0x39: {  	_ = 	snop;
	(pc) =	sbr.ind lr, $3  }
0x3a: {  	_ = 	snop  }
0x3b: {  	_ = 	snop  }
0x3c: {  	p2 =	seq.s32 s10, $0x1;
	s10 =	sld [smem:$0x3FB9]  }
0x3d: {  	_ =	shalt  }
0x3e: {  	_ =	shalt  }
0x3f: {  	_ =	shalt  }
0x40: {  	_ =	shalt  }
0x41: {  	_ =	shalt  }
0x42: {  	_ =	shalt  }
0x43: {  	_ =	shalt  }
0x44: {  	_ =	shalt  }
0x45: {  	_ =	shalt  }
0x46: {  	_ =	shalt  }
0x47: {  	_ =	shalt  }
0x48: {  	_ =	shalt  }
0x49: {  	_ =	shalt  }
0x4a: {  	_ =	shalt  }
0x4b: {  	_ =	shalt  }
0x4c: {  	_ =	shalt  }
0x4d: {  	_ =	shalt  }
0x4e: {  	_ =	shalt  }
0x4f: {  	_ =	shalt  }
0x50: {  	_ =	shalt  }
0x51: {  	_ =	shalt  }
0x52: {  	_ =	shalt  }
0x53: {  	_ =	shalt  }
0x54: {  	_ =	shalt  }
0x55: {  	_ =	shalt  }
0x56: {  	_ =	shalt  }
0x57: {  	_ =	shalt  }
0x58: {  	_ =	shalt  }
0x59: {  	_ =	shalt  }
0x5a: {  	_ =	shalt  }
0x5b: {  	_ =	shalt  }
0x5c: {  	_ =	shalt  }
0x5d: {  	_ =	shalt  }
0x5e: {  	_ =	shalt  }
0x5f: {  	_ =	shalt  }
0x60: {  	_ =	shalt  }
0x61: {  	_ =	shalt  }
0x62: {  	_ =	shalt  }
0x63: {  	_ =	shalt  }
0x64: {  	_ =	shalt  }
0x65: {  	_ =	shalt  }
0x66: {  	_ =	shalt  }
0x67: {  	_ =	shalt  }
0x68: {  	_ =	shalt  }
0x69: {  	_ =	shalt  }
0x6a: {  	_ =	shalt  }
0x6b: {  	_ =	shalt  }
0x6c: {  	_ =	shalt  }
0x6d: {  	_ =	shalt  }
0x6e: {  	_ =	shalt  }
0x6f: {  	_ =	shalt  }
0x70: {  	_ =	shalt  }
0x71: {  	_ =	shalt  }
0x72: {  	_ =	shalt  }
0x73: {  	_ =	shalt  }
0x74: {  	_ =	shalt  }
0x75: {  	_ =	shalt  }
0x76: {  	_ =	shalt  }
0x77: {  	_ =	shalt  }
0x78: {  	_ =	shalt  }
0x79: {  	_ =	shalt  }
0x7a: {  	_ =	shalt  }
0x7b: {  	_ =	shalt  }
0x7c: {  	_ =	shalt  }
0x7d: {  	_ =	shalt  }
0x7e: {  	_ =	shalt  }
0x7f: {  	_ =	shalt  }
0x80: {  	_ =	shalt  }
0x81: {  	_ =	shalt  }
0x82: {  	_ =	shalt  }
0x83: {  	_ =	shalt  }
0x84: {  	_ =	shalt  }
0x85: {  	_ =	shalt  }
0x86: {  	_ =	shalt  }
0x87: {  	_ =	shalt  }
.Lfunc_end0:
.L_simem_size_0:
called_computation.1_lowered:
.L_overlay_start_0:
0x88: {  	s2 =	sld [smem:$0x3FD9]  }
0x89: {  	s3 =	sld [smem:$0x3FFE];
	_ =	sdelay $0x1  }
0x8a: {  	s1 =	srdreg.scid  }
0x8b: {  	s0 =	sand.u32 $0x1, s1  }
0x8c: {  	s17 =	sshll.u32 s0, $0xA;
	s2 =	sadd.s32 s3, s2  }
0x8d: {  	s2 =	sadd.s32 s2, s17  }
0x8e: {  	[smem:$0x3FC5] =	sst s2  }
0x8f: {  	_ = 	snop  }
0x90: {  	s2 =	sld [smem:$0x3FD0];
	(tm) =	ssettm $0x1  }
0x91: {  	s18 =	sld [smem:$0x3FFB];
	_ =	sdelay $0x3  }
0x92: {  	_ =	strace s18  }
0x93: {  	s3 =	sld [smem:$0x3FFC];
	_ =	sdelay $0x3  }
0x94: {  	_ =	strace s3  }
0x95: {  	s3 =	sld [smem:$0x3FFD];
	_ =	sdelay $0x3  }
0x96: {  	_ =	strace s3  }
0x97: {  	_ =	strace $0x8FFFFFFF  }
0x98: {  	s19 =	sld [smem:$0x3FDB];
	_ =	sdelay $0x1  }
0x99: {  	s4 =	simm.s32 $_scs_section_size  }
0x9a: {  	s5 =	simm.s32 $_size__tile_overlayer_lowered;
	s6 =	simm.s32 $_tile_overlayer_lowered  }
0x9b: {  	s22 =	simm.s32 $0x1BFF;
	s21 =	sshll.u32 s6, $0x1;
	s3 =	sadd.s32 s4, s19  }
0x9c: {  	s7 =	simm.s32 $0x0;
	s20 =	sshll.u32 s5, $0x1;
	s5 =	sadd.s32 s21, s3  }
0x9d: {  	[timem:s7], [sflag:s22] =	dma.local [hbm:s5], s20  }
0x9e: {  	_ =	swait.ge [sflag:s22], s20  }
0x9f: {  	s4 =	ssub.s32 $0x0, s20;
	[sflag:s22] =	ssyncset.done $0x0  }
0xa0: {  	[sflag:s22] =	ssyncadd.s32 s4;
	_ =	sdelay $0x1  }
0xa1: {  	s23 =	simm.s32 $0x1B8B  }
0xa2: {  	_ =	swait.ge [sflag:s23], $0x1  }
0xa3: {  	[sflag:s23] =	ssyncset.done $0x0  }
0xa4: {  	s25 =	simm.s32 $0x1B8E;
	s24 =	sld [smem:$0x3FFE];
	[sflag:s23] =	ssyncadd.s32 $0xFFFFFFFF  }
0xa5: {  	s26 =	simm.s32 $execute0_lowered;
	[smem:$0x3FD2] =	sst s25  }
0xa6: {  	s5 =	sshll.u32 s26, $0x1;
	_ =	strace $0x80000046;
	[dreg:$0x1] =	wrdreg $0xFFFFFFFF  }
0xa7: {  	s28 =	simm.s32 $_size_execute0_lowered;
	s3 =	sadd.s32 s3, s5;
	[dreg:$0x0] =	wrdreg $0x0  }
0xa8: {  	s5 =	sshll.u32 s28, $0x1;
	[dreg:$0x2] =	wrdreg s3  }
0xa9: {  	[dreg:$0x3] =	wrdreg s5  }
0xaa: {  	[dreg:$0x4] =	wrdreg $0xC0  }
0xab: {  	_ =	task [dreg:s7], $0x5FFFF  }
0xac: {  	[dreg:$0x1] =	wrdreg $0xFFFFFFFF  }
0xad: {  	[dreg:$0x0] =	wrdreg $0x60  }
0xae: {  	[dreg:$0x2] =	wrdreg s24  }
0xaf: {  	[dreg:$0x3] =	wrdreg s2  }
0xb0: {  	[dreg:$0x4] =	wrdreg $0x9  }
0xb1: {  	_ =	task.clear_ibuf [dreg:s7], $0x5FFFF;
	_ =	strace $0x90000046  }
0xb2: {  	s29 =	simm.s32 $0x9;
	_ =	strace $0x80000048  }
0xb3: {  	_ =	swait.ge [sflag:s29], $0x1  }
0xb4: {  	[sflag:s29] =	ssyncadd.s32 $0xFFFFFFFF  }
0xb5: {  	_ =	strace $0x90000048  }
0xb6: {  	_ =	sfence  }
0xb7: {  	s30 =	sld [smem:$0x0];
	_ =	sdelay $0x2  }
0xb8: {  	s31 =	sshll.u32 s1, $0xD;
	s1 =	sshrl.u32 s1, $0x2  }
0xb9: {  	s3 =	sand.u32 $0x4000, s31;
	s1 =	sadd.s32 s1, s30  }
0xba: {  	s0 =	sor.u32 s3, s0;
	s1 =	sshll.u32 s1, $0x11  }
0xbb: {  	s0 =	sor.u32 s1, s0  }
0xbc: {  	s0 =	sadd.s32 $0x8F2B, s0  }
0xbd: {  	[sflag:s0] =	ssyncadd.remote.s32 $0x1  }
0xbe: {  	_ =	sfence.sel $0xFFFF  }
0xbf: {  	[dreg:$0x0] =	wrdreg $0xFFFFFFFF;
	(pc) =	sbr.abs _section_cstart, $3  }
0xc0: {  	[dreg:$0x1] =	wrdreg $0xFFFFFFFF  }
0xc1: {  	_ =	task.clear_ibuf [dreg:s7], $0x2FFFF;
	_ =	strace $0x9FFFFFFF  }
0xc2: {  	(tm) =	ssettm $0x7FFFFFFF  }
0xc3: {  	_ =	shalt  }
tec
execute0_lowered:
.L_overlay_start_1:
0x0: {  	(tag) =	ssettag $0x1  }
0x1: {  	s0 =	rddreg [dreg:$0x0]  }
0x2: {  	s2 =	rddreg [dreg:$0x1]  }
0x3: {  	s3 =	simm.s32 $0x0;
	s1 =	srdreg.scid;
	s4 =	stileid.u32  }
0x4: {  	s15 =	simm.s32 $0x5;
	s18 =	simm.s32 $0x28;
	s19 =	simm.s32 $0x190  }
0x5: {  	s28 =	simm.s32 $0x1;
	s29 =	simm.s32 $0xC8;
	s30 =	simm.s32 $0x3390  }
0x6: {  	s31 =	simm.s32 $0xF0;
	s14 =	simm.s32 $0x4790;
	s16 =	simm.s32 $0x140  }
0x7: {  	s17 =	simm.s32 $0x5190;
	s20 =	simm.s32 $0x168;
	s21 =	simm.s32 $0x5B90  }
0x8: {  	s22 =	simm.s32 $0x2;
	[smem:$0x7FF] =	sst s3;
	s1 =	sand.u32 $0x1, s1  }
0x9: {  	s4 =	sshll.u32 s4, $0x1;
	s5 =	sadd.s32 $0xF44400, s0;
	s7 =	sadd.s32 $0x1800, s0  }
0xa: {  	s23 =	sadd.s32 $0x1000, s0;
	_ =	strace $0x80000047;
	[dreg:$0x3] =	wrdreg s7  }
0xb: {  	s6 =	sor.u32 s1, s4;
	s4 =	sadd.s32 $0x2000, s0;
	[dreg:$0x4] =	wrdreg s23  }
0xc: {  	s1 =	ssub.s32 $0x2, s1;
	s0 =	sadd.s32 $0x1B000, s0;
	s23 =	simm.s32 $0x3  }
0xd: {  	s6 =	smul.u32 $0x6400, s6;
	[dreg:$0x5] =	wrdreg s0;
	s24 =	sshrl.u32 s1, $0x1  }
0xe: {  	s0 =	ssub.s32 s1, s24;
	s1 =	simm.s32 $0x118;
	s24 =	simm.s32 $0x4  }
0xf: {  	s25 =	sshrl.u32 s6, $0x3;
	s11 =	sor.u32 $0xC8, s6;
	s0 =	smax.u32 s0, $0x1  }
0x10: {  	s12 =	sor.u32 $0x190, s6;
	s26 =	sadd.s32 s4, s25;
	[dreg:$0x7] =	wrdreg s0  }
0x11: {  	s0 =	simm.s32 $0x3D90;
	s25 =	simm.s32 $0x0;
	[dreg:$0x6] =	wrdreg s26  }
.LBB2_1:
0x12: {  	s7 =	rddreg [dreg:$0x3];
	s8 =	simm.s32 $0x6590  }
0x13: {  	[tilespmem:s8], [sflag:$0x5] =	stream.linear.gather [hbm4b:s7+s3], $0x3200, $0x38;
	[tilespmem:$0xFB90] =	vst v63  }
0x14: {  	_ =	swait.ge [sflag:s15], $0x3200  }
0x15: {  	[sflag:s15] =	ssyncset.done $0x0  }
0x16: {  	s10 =	simm.s32 $0x9790;
	s9 =	rddreg [dreg:$0x4];
	[sflag:s15] =	ssyncadd.s32 $0xFFFFCE00  }
0x17: {  	[tilespmem:s10], [sflag:$0x5] =	stream.linear.gather [hbm4b:s9+s3], $0x3200, $0x38;
	[tilespmem:$0xFB90] =	vst v63  }
0x18: {  	_ =	swait.ge [sflag:s15], $0x3200  }
0x19: {  	[sflag:s15] =	ssyncset.done $0x0  }
0x1a: {  	s26 =	simm.s32 $0xC990;
	s13 =	rddreg [dreg:$0x5];
	[sflag:s15] =	ssyncadd.s32 $0xFFFFCE00  }
0x1b: {  	[tilespmem:s26], [sflag:$0x5] =	stream.linear.gather [hbm4b:s13+s3], $0x3200, $0x38;
	[tilespmem:$0xFB90] =	vst v63  }
0x1c: {  	_ =	swait.ge [sflag:s15], $0x3200  }
0x1d: {  	[sflag:s15] =	ssyncset.done $0x0  }
0x1e: {  	s9 =	rddreg [dreg:$0x6];
	[sflag:s15] =	ssyncadd.s32 $0xFFFFCE00  }
0x1f: {  	[tilespmem:s3], [sflag:$0x5] =	stream.linear.gather [hbm4b:s9+s3], $0xC8, $0x38;
	[tilespmem:$0xFB90] =	vst v63  }
0x20: {  	_ =	swait.ge [sflag:s15], $0xC8  }
0x21: {  	[sflag:s15] =	ssyncset.done $0x0  }
0x22: {  	[sflag:s15] =	ssyncadd.s32 $0xFFFFFF38  }
0x23: {  	[tilespmem:s19], [sflag:$0x1] =	stream.indirect.gather [hbm4b:s5+s18], $0x40, s3, s18, $0xb8;
	[tilespmem:$0xFB90] =	vst v63  }
0x24: {  	s10 =	simm.s32 $0xB90  }
0x25: {  	[tilespmem:s10], [sflag:$0x1] =	stream.indirect.gather [hbm4b:s5+s18], $0x40, s18, s18, $0xb8;
	[tilespmem:$0xFB90] =	vst v63  }
0x26: {  	s13 =	simm.s32 $0x50;
	s26 =	simm.s32 $0x1590  }
0x27: {  	[tilespmem:s26], [sflag:$0x1] =	stream.indirect.gather [hbm4b:s5+s18], $0x40, s13, s18, $0xb8;
	[tilespmem:$0xFB90] =	vst v63  }
0x28: {  	s9 =	simm.s32 $0x78;
	s10 =	simm.s32 $0x1F90  }
0x29: {  	[tilespmem:s10], [sflag:$0x1] =	stream.indirect.gather [hbm4b:s5+s18], $0x40, s9, s18, $0xb8;
	[tilespmem:$0xFB90] =	vst v63  }
0x2a: {  	s13 =	simm.s32 $0xA0;
	s26 =	simm.s32 $0x2990  }
0x2b: {  	[tilespmem:s26], [sflag:$0x1] =	stream.indirect.gather [hbm4b:s5+s18], $0x40, s13, s18, $0xb8;
	[tilespmem:$0xFB90] =	vst v63  }
0x2c: {  	s26 =	simm.s32 $0x0  }
.LBB2_2:
0x2d: {  	_ =	swait.ge [sflag:s28], $0x3200  }
0x2e: {  	p0 =	seq.s32 s26, $0x0;
	s8 =	smul.u32 $0x190, s26;
	[sflag:s28] =	ssyncset.done $0x0  }
0x2f: {  	s9 =	simm.s32 @!p0 $0x4;
	[sflag:s28] =	ssyncadd.s32 $0xFFFFCE00  }
0x30: {  	s7 =	sadd.s32 s8, s11;
	_ =	swait.ge @!p0 [sflag:s9], $0x3200  }
0x31: {  	s10 =	sshrl.u32 s7, $0x3;
	[sflag:s9] =	ssyncset.done @!p0 $0x0  }
0x32: {  	s13 =	simm.s32 $0x0;
	s10 =	sadd.s32 s4, s10;
	[sflag:s9] =	ssyncadd.s32 @!p0 $0xFFFFCE00  }
0x33: {  	[tilespmem:s29], [sflag:$0x5] =	stream.linear.gather [hbm4b:s10+s13], $0xC8, $0x38;
	[tilespmem:$0xFB90] =	vst v63  }
0x34: {  	_ =	swait.ge [sflag:s15], $0xC8  }
0x35: {  	[sflag:s15] =	ssyncset.done $0x0  }
0x36: {  	[sflag:s15] =	ssyncadd.s32 $0xFFFFFF38  }
0x37: {  	[tilespmem:s30], [sflag:$0x2] =	stream.indirect.gather [hbm4b:s5+s18], $0x40, s29, s18, $0xb8;
	[tilespmem:$0xFB90] =	vst v63  }
0x38: {  	_ = 	snop  }
0x39: {  	[tilespmem:s0], [sflag:$0x2] =	stream.indirect.gather [hbm4b:s5+s18], $0x40, s31, s18, $0xb8;
	[tilespmem:$0xFB90] =	vst v63  }
0x3a: {  	_ = 	snop  }
0x3b: {  	[tilespmem:s14], [sflag:$0x2] =	stream.indirect.gather [hbm4b:s5+s18], $0x40, s1, s18, $0xb8;
	[tilespmem:$0xFB90] =	vst v63  }
0x3c: {  	_ = 	snop  }
0x3d: {  	[tilespmem:s17], [sflag:$0x2] =	stream.indirect.gather [hbm4b:s5+s18], $0x40, s16, s18, $0xb8;
	[tilespmem:$0xFB90] =	vst v63  }
0x3e: {  	s9 =	simm.s32 $0x0  }
0x3f: {  	[tilespmem:s21], [sflag:$0x2] =	stream.indirect.gather [hbm4b:s5+s18], $0x40, s20, s18, $0xb8;
	[tilespmem:$0xFB90] =	vst v63  }
0x40: {  	v1 =	vld [tilespmem:s9+$0xC9B0]  }
0x41: {  	v0 =	vld [tilespmem:s9+$0x97C0]  }
0x42: {  	v3 =	vld [tilespmem:s9+$0x97B0]  }
0x43: {  	v10 =	vld [tilespmem:s9+$0x6590]  }
0x44: {  	v4 =	vld [tilespmem:s9+$0x9790]  }
0x45: {  	v11 =	vld [tilespmem:s9+$0x65B0]  }
0x46: {  	v2 =	vld [tilespmem:s9+$0x65C0]  }
0x47: {  	v12 =	vld [tilespmem:s9+$0x1B0]  }
0x48: {  	v13 =	vld [tilespmem:s9+$0x190]  }
0x49: {  	v5 =	vld [tilespmem:s9+$0x65A0]  }
0x4a: {  	v9 =	vld [tilespmem:s9+$0x97A0]  }
0x4b: {  	v8 =	vld [tilespmem:s9+$0x1C0]  }
0x4c: {  	v7 =	vld [tilespmem:s9+$0x1A0]  }
0x4d: {  	v6 =	vmul.f32 v4, v12;
	v11 =	vmul.f32 v11, v12;
	v4 =	vld [tilespmem:s9+$0xC990]  }
0x4e: {  	s10 =	simm.s32 $0x100;
	v10 =	vmul.f32 v10, v13;
	v12 =	vmul.f32 v3, v13;
	v3 =	vld [tilespmem:s9+$0xC9C0]  }
.LBB2_3:
0x4f: {  	s13 =	sshra.s32 s10, $0x2;
	p0 =	sne.s32 s10, $0xC700;
	s10 =	sadd.s32 $0x100, s10;
	v13 =	vld [tilespmem:s9+$0xC9A0]  }
0x50: {  	v14 =	vld [tilespmem:s13+$0xC9B0];
	v9 =	vmul.f32 v9, v8;
	v2 =	vmul.f32 v2, v8  }
0x51: {  	v8 =	vadd.f32 v12, v11;
	v5 =	vmul.f32 v5, v7;
	v7 =	vmul.f32 v0, v7;
	v0 =	vld [tilespmem:s13+$0x97C0]  }
0x52: {  	v6 =	vadd.f32 v6, v10;
	v12 =	vld [tilespmem:s13+$0x97B0]  }
0x53: {  	v8 =	vadd.f32 v8, v1;
	v10 =	vld [tilespmem:s13+$0x6590];
	v5 =	vadd.f32 v9, v5  }
0x54: {  	v4 =	vadd.f32 v6, v4;
	v6 =	vadd.f32 v7, v2;
	v11 =	vld [tilespmem:s13+$0x9790]  }
0x55: {  	v15 =	vld [tilespmem:s13+$0x65B0];
	v5 =	vadd.f32 v5, v13;
	[tilespmem:s9+$0x1B0] =	vst v8;
	v1 =	vmov v14  }
0x56: {  	v3 =	vadd.f32 v6, v3;
	v2 =	vld [tilespmem:s13+$0x65C0];
	[tilespmem:s9+$0x190] =	vst v4  }
0x57: {  	v4 =	vld [tilespmem:s13+$0x1B0];
	[tilespmem:s9+$0x1A0] =	vst v5  }
0x58: {  	v13 =	vld [tilespmem:s13+$0x190];
	[tilespmem:s9+$0x1C0] =	vst v3;
	s9 =	smov.u32 s13  }
0x59: {  	v5 =	vld [tilespmem:s9+$0x65A0]  }
.Ltmp0:
0x5a: {  	v9 =	vld [tilespmem:s9+$0x97A0];
	(pc) =	sbr.rel @p0 .LBB2_3-.Ltmp0, $4  }
0x5b: {  	v8 =	vld [tilespmem:s9+$0x1C0]  }
0x5c: {  	v7 =	vld [tilespmem:s9+$0x1A0];
	v6 =	vmul.f32 v11, v4;
	v11 =	vmul.f32 v15, v4  }
0x5d: {  	v10 =	vmul.f32 v10, v13;
	v4 =	vld [tilespmem:s9+$0xC990];
	v12 =	vmul.f32 v12, v13  }
0x5e: {  	v3 =	vld [tilespmem:s9+$0xC9C0]  }
0x5f: {  	_ = 	snop  }
0x60: {  	v13 =	vld [tilespmem:s9+$0xC9A0]  }
0x61: {  	v11 =	vadd.f32 v12, v11;
	v9 =	vmul.f32 v9, v8;
	v5 =	vmul.f32 v5, v7  }
0x62: {  	v6 =	vadd.f32 v6, v10;
	v2 =	vmul.f32 v2, v8;
	v0 =	vmul.f32 v0, v7  }
0x63: {  	v1 =	vadd.f32 v11, v1;
	v5 =	vadd.f32 v9, v5  }
0x64: {  	v4 =	vadd.f32 v6, v4;
	v0 =	vadd.f32 v0, v2  }
0x65: {  	[tilespmem:s9+$0x1B0] =	vst v1;
	v2 =	vadd.f32 v5, v13  }
0x66: {  	s10 =	sadd.s32 s6, s8;
	[tilespmem:s9+$0x190] =	vst v4;
	v0 =	vadd.f32 v0, v3  }
0x67: {  	s10 =	sshll.u32 s10, $0x3;
	[tilespmem:s9+$0x1A0] =	vst v2  }
0x68: {  	s13 =	sadd.s32 s2, s10;
	[tilespmem:s9+$0x1C0] =	vst v0  }
0x69: {  	[hbm4b:s13+s3] =	stream.linear.scatter [tilespmem:s19], [sflag:$0x3], $0x3200, $0x38;
	[tilespmem:$0xFB90] =	vst v63  }
0x6a: {  	_ =	swait.ge [sflag:s22], $0x3200  }
0x6b: {  	p0 =	seq.s32 s26, $0x3F;
	[sflag:s22] =	ssyncset.done $0x0  }
0x6c: {  	s9 =	simm.s32 @!p0 $0x3;
	[sflag:s22] =	ssyncadd.s32 $0xFFFFCE00  }
0x6d: {  	s8 =	sadd.s32 @!p0 s8, s12;
	_ =	swait.ge @!p0 [sflag:s9], $0x3200  }
0x6e: {  	s8 =	sshrl.u32 @!p0 s8, $0x3;
	[sflag:s9] =	ssyncset.done @!p0 $0x0  }
0x6f: {  	s8 =	sadd.s32 @!p0 s4, s8;
	[sflag:s9] =	ssyncadd.s32 @!p0 $0xFFFFCE00;
	s9 =	simm.s32 @!p0 $0x0  }
0x70: {  	[tilespmem:s9], [sflag:$0x5] =	stream.linear.gather @!p0 [hbm4b:s8+s9], $0xC8, $0x38;
	[tilespmem:$0xFB90] =	vst v63  }
0x71: {  	s8 =	simm.s32 @!p0 $0x5  }
0x72: {  	_ =	swait.ge @!p0 [sflag:s8], $0xC8  }
0x73: {  	[sflag:s8] =	ssyncset.done @!p0 $0x0  }
0x74: {  	s10 =	simm.s32 @!p0 $0x190;
	[sflag:s8] =	ssyncadd.s32 @!p0 $0xFFFFFF38;
	s8 =	simm.s32 @!p0 $0x28  }
0x75: {  	[tilespmem:s10], [sflag:$0x1] =	stream.indirect.gather @!p0 [hbm4b:s5+s8], $0x40, s9, s8, $0xb8;
	[tilespmem:$0xFB90] =	vst v63  }
0x76: {  	s9 =	simm.s32 @!p0 $0xB90  }
0x77: {  	[tilespmem:s9], [sflag:$0x1] =	stream.indirect.gather @!p0 [hbm4b:s5+s8], $0x40, s8, s8, $0xb8;
	[tilespmem:$0xFB90] =	vst v63  }
0x78: {  	s10 =	simm.s32 @!p0 $0x1590;
	s9 =	simm.s32 @!p0 $0x50  }
0x79: {  	[tilespmem:s10], [sflag:$0x1] =	stream.indirect.gather @!p0 [hbm4b:s5+s8], $0x40, s9, s8, $0xb8;
	[tilespmem:$0xFB90] =	vst v63  }
0x7a: {  	s9 =	simm.s32 @!p0 $0x78;
	s10 =	simm.s32 @!p0 $0x1F90  }
0x7b: {  	[tilespmem:s10], [sflag:$0x1] =	stream.indirect.gather @!p0 [hbm4b:s5+s8], $0x40, s9, s8, $0xb8;
	[tilespmem:$0xFB90] =	vst v63  }
0x7c: {  	s9 =	simm.s32 @!p0 $0xA0;
	s10 =	simm.s32 @!p0 $0x2990  }
0x7d: {  	[tilespmem:s10], [sflag:$0x1] =	stream.indirect.gather @!p0 [hbm4b:s5+s8], $0x40, s9, s8, $0xb8;
	[tilespmem:$0xFB90] =	vst v63  }
0x7e: {  	s8 =	simm.s32 $0x0  }
0x7f: {  	v1 =	vld [tilespmem:s8+$0xC9B0]  }
0x80: {  	v0 =	vld [tilespmem:s8+$0x97C0]  }
0x81: {  	v3 =	vld [tilespmem:s8+$0x97B0]  }
0x82: {  	v10 =	vld [tilespmem:s8+$0x6590]  }
0x83: {  	v4 =	vld [tilespmem:s8+$0x9790]  }
0x84: {  	v11 =	vld [tilespmem:s8+$0x65B0]  }
0x85: {  	v2 =	vld [tilespmem:s8+$0x65C0]  }
0x86: {  	v12 =	vld [tilespmem:s8+$0x33B0]  }
0x87: {  	v13 =	vld [tilespmem:s8+$0x3390]  }
0x88: {  	v5 =	vld [tilespmem:s8+$0x65A0]  }
0x89: {  	v9 =	vld [tilespmem:s8+$0x97A0]  }
0x8a: {  	v8 =	vld [tilespmem:s8+$0x33C0]  }
0x8b: {  	v7 =	vld [tilespmem:s8+$0x33A0]  }
0x8c: {  	v6 =	vmul.f32 v4, v12;
	v11 =	vmul.f32 v11, v12;
	v4 =	vld [tilespmem:s8+$0xC990]  }
0x8d: {  	s9 =	simm.s32 $0x100;
	v10 =	vmul.f32 v10, v13;
	v12 =	vmul.f32 v3, v13;
	v3 =	vld [tilespmem:s8+$0xC9C0]  }
.LBB2_5:
0x8e: {  	s10 =	sshra.s32 s9, $0x2;
	p0 =	sne.s32 s9, $0xC700;
	s9 =	sadd.s32 $0x100, s9;
	v13 =	vld [tilespmem:s8+$0xC9A0]  }
0x8f: {  	v14 =	vld [tilespmem:s10+$0xC9B0];
	v9 =	vmul.f32 v9, v8;
	v2 =	vmul.f32 v2, v8  }
0x90: {  	v8 =	vadd.f32 v12, v11;
	v5 =	vmul.f32 v5, v7;
	v7 =	vmul.f32 v0, v7;
	v0 =	vld [tilespmem:s10+$0x97C0]  }
0x91: {  	v6 =	vadd.f32 v6, v10;
	v12 =	vld [tilespmem:s10+$0x97B0]  }
0x92: {  	v8 =	vadd.f32 v8, v1;
	v10 =	vld [tilespmem:s10+$0x6590];
	v5 =	vadd.f32 v9, v5  }
0x93: {  	v4 =	vadd.f32 v6, v4;
	v6 =	vadd.f32 v7, v2;
	v11 =	vld [tilespmem:s10+$0x9790]  }
0x94: {  	v15 =	vld [tilespmem:s10+$0x65B0];
	v5 =	vadd.f32 v5, v13;
	[tilespmem:s8+$0x33B0] =	vst v8;
	v1 =	vmov v14  }
0x95: {  	v3 =	vadd.f32 v6, v3;
	v2 =	vld [tilespmem:s10+$0x65C0];
	[tilespmem:s8+$0x3390] =	vst v4  }
0x96: {  	v4 =	vld [tilespmem:s10+$0x33B0];
	[tilespmem:s8+$0x33A0] =	vst v5  }
0x97: {  	v13 =	vld [tilespmem:s10+$0x3390];
	[tilespmem:s8+$0x33C0] =	vst v3;
	s8 =	smov.u32 s10  }
0x98: {  	v5 =	vld [tilespmem:s8+$0x65A0]  }
.Ltmp1:
0x99: {  	v9 =	vld [tilespmem:s8+$0x97A0];
	(pc) =	sbr.rel @p0 .LBB2_5-.Ltmp1, $4  }
0x9a: {  	v8 =	vld [tilespmem:s8+$0x33C0]  }
0x9b: {  	v7 =	vld [tilespmem:s8+$0x33A0];
	v6 =	vmul.f32 v11, v4;
	v11 =	vmul.f32 v15, v4  }
0x9c: {  	v10 =	vmul.f32 v10, v13;
	v4 =	vld [tilespmem:s8+$0xC990];
	v12 =	vmul.f32 v12, v13  }
0x9d: {  	v3 =	vld [tilespmem:s8+$0xC9C0]  }
0x9e: {  	_ = 	snop  }
0x9f: {  	v13 =	vld [tilespmem:s8+$0xC9A0]  }
0xa0: {  	v11 =	vadd.f32 v12, v11;
	v9 =	vmul.f32 v9, v8;
	v5 =	vmul.f32 v5, v7  }
0xa1: {  	v6 =	vadd.f32 v6, v10;
	v2 =	vmul.f32 v2, v8;
	v0 =	vmul.f32 v0, v7  }
0xa2: {  	s26 =	sadd.s32 $0x1, s26;
	v1 =	vadd.f32 v11, v1;
	v5 =	vadd.f32 v9, v5  }
0xa3: {  	p0 =	sne.s32 s26, $0x40;
	v4 =	vadd.f32 v6, v4;
	v0 =	vadd.f32 v0, v2  }
.Ltmp2:
0xa4: {  	[tilespmem:s8+$0x33B0] =	vst v1;
	v63 =	vadd.f32 v5, v13;
	(pc) =	sbr.rel @p0 .LBB2_2-.Ltmp2, $4  }
0xa5: {  	s7 =	sshll.u32 s7, $0x3;
	[tilespmem:s8+$0x3390] =	vst v4;
	v0 =	vadd.f32 v0, v3  }
0xa6: {  	s7 =	sand.u32 $0x1FFFFFC0, s7;
	[tilespmem:s8+$0x33A0] =	vst v63  }
0xa7: {  	s7 =	sadd.s32 s2, s7;
	[tilespmem:s8+$0x33C0] =	vst v0  }
0xa8: {  	[hbm4b:s7+s3] =	stream.linear.scatter [tilespmem:s30], [sflag:$0x4], $0x3200, $0x38;
	[tilespmem:$0xFB90] =	vst v63  }
0xa9: {  	_ =	swait.ge [sflag:s23], $0x3200  }
0xaa: {  	[sflag:s23] =	ssyncset.done $0x0  }
0xab: {  	[sflag:s23] =	ssyncadd.s32 $0xFFFFCE00  }
0xac: {  	_ =	swait.ge [sflag:s24], $0x3200  }
0xad: {  	s25 =	sadd.s32 $0x1, s25;
	s7 =	rddreg [dreg:$0x7]  }
0xae: {  	p0 =	sne.s32 s25, s7  }
.Ltmp3:
0xaf: {  	_ = 	snop;
	(pc) =	sbr.rel @p0 .LBB2_1-.Ltmp3, $3  }
0xb0: {  	_ =	sdelay $0x1  }
0xb1: {  	[sflag:s24] =	ssyncset.done $0x0  }
0xb2: {  	[sflag:s24] =	ssyncadd.s32 $0xFFFFCE00  }
0xb3: {  	_ =	sfence.sel $0x180000  }
0xb4: {  	[bflag:$0x0] =	sbarrier.arrive $0xFFFF  }
0xb5: {  	_ =	strace $0x90000047  }
0xb6: {  	s0 =	stileid.u32;
	[bflag:$0x2] =	sbarrier.arrive $0xFFFF  }
0xb7: {  	p0 =	sne.s32 s0, $0x0;
	s0 =	rddreg [dreg:$0x2]  }
0xb8: {  	s0 =	sadd.s32 @!p0 $0x100000, s0  }
0xb9: {  	[sflag:s0] =	ssyncadd.tile.s32 @!p0 $0x1;
	_ =	shalt  }
.Lfunc_end2:
_tile_overlayer_lowered:
.L_overlay_start_2:
0xba: {  	(tag) =	ssettag $0x2  }
0xbb: {  	s0 =	rddreg [dreg:$0x0];
	s2 =	stileid.u32  }
0xbc: {  	s1 =	rddreg [dreg:$0x1];
	p0 =	sne.s32 s2, $0x0  }
0xbd: {  	s3 =	rddreg [dreg:$0x2];
	[bflag:$0x3] =	sbarrier.arrive $0xFFFF;
	s2 =	simm.s32 @!p0 $0x1C05  }
0xbe: {  	[timem:s3], [sflag:s2] =	dma.local @!p0 [hbm:s0], s1  }
0xbf: {  	s0 =	simm.s32 @!p0 $0x5  }
0xc0: {  	_ =	swait.ge @!p0 [sflag:s0], s1  }
0xc1: {  	s1 =	ssub.s32 @!p0 $0x0, s1;
	[sflag:s0] =	ssyncset.done @!p0 $0x0  }
0xc2: {  	[sflag:s0] =	ssyncadd.s32 @!p0 s1  }
0xc3: {  	[bflag:$0x3] =	sbarrier.arrive $0xFFFF  }
0xc4: {  	_ =	shalt  }

// kernel: sparse-core-data-format-call.cloned.1.call-start
scs
called_computation_lowered:
.L_overlay_start_0:
0x0: {  	s2 =	sld [smem:$0x3FD9]  }
0x1: {  	s3 =	sld [smem:$0x3FFE];
	_ =	sdelay $0x1  }
0x2: {  	s1 =	srdreg.scid  }
0x3: {  	s0 =	sand.u32 $0x1, s1  }
0x4: {  	s18 =	sshll.u32 s0, $0xA;
	s2 =	sadd.s32 s3, s2  }
0x5: {  	s2 =	sadd.s32 s2, s18  }
0x6: {  	[smem:$0x3FC5] =	sst s2  }
0x7: {  	_ = 	snop  }
0x8: {  	s2 =	sld [smem:$0x3FD0];
	(tm) =	ssettm $0x1  }
0x9: {  	s19 =	sld [smem:$0x3FFB];
	_ =	sdelay $0x3  }
0xa: {  	_ =	strace s19  }
0xb: {  	s3 =	sld [smem:$0x3FFC];
	_ =	sdelay $0x3  }
0xc: {  	_ =	strace s3  }
0xd: {  	s3 =	sld [smem:$0x3FFD];
	_ =	sdelay $0x3  }
0xe: {  	_ =	strace s3  }
0xf: {  	_ =	strace $0x8FFFFFFF  }
0x10: {  	s20 =	sld [smem:$0x3FDB];
	_ =	sdelay $0x1  }
0x11: {  	s4 =	simm.s32 $_scs_section_size  }
0x12: {  	s5 =	simm.s32 $_size__tile_overlayer_lowered;
	s6 =	simm.s32 $_tile_overlayer_lowered  }
0x13: {  	s23 =	simm.s32 $0x1BFF;
	s22 =	sshll.u32 s6, $0x1;
	s3 =	sadd.s32 s4, s20  }
0x14: {  	s7 =	simm.s32 $0x0;
	s21 =	sshll.u32 s5, $0x1;
	s5 =	sadd.s32 s22, s3  }
0x15: {  	[timem:s7], [sflag:s23] =	dma.local [hbm:s5], s21  }
0x16: {  	_ =	swait.ge [sflag:s23], s21  }
0x17: {  	s4 =	ssub.s32 $0x0, s21;
	[sflag:s23] =	ssyncset.done $0x0  }
0x18: {  	[sflag:s23] =	ssyncadd.s32 s4;
	_ =	sdelay $0x1  }
0x19: {  	s24 =	simm.s32 $0x1B8B  }
0x1a: {  	_ =	swait.ge [sflag:s24], $0x1  }
0x1b: {  	[sflag:s24] =	ssyncset.done $0x0  }
0x1c: {  	s26 =	simm.s32 $0x1B8E;
	s25 =	sld [smem:$0x3FFE];
	[sflag:s24] =	ssyncadd.s32 $0xFFFFFFFF  }
0x1d: {  	s27 =	simm.s32 $execute0_lowered;
	[smem:$0x3FD2] =	sst s26  }
0x1e: {  	s5 =	sshll.u32 s27, $0x1;
	_ =	strace $0x80000049;
	[dreg:$0x1] =	wrdreg $0xFFFFFFFF  }
0x1f: {  	s28 =	simm.s32 $_size_execute0_lowered;
	s3 =	sadd.s32 s3, s5;
	[dreg:$0x0] =	wrdreg $0x0  }
0x20: {  	s5 =	sshll.u32 s28, $0x1;
	[dreg:$0x2] =	wrdreg s3  }
0x21: {  	[dreg:$0x3] =	wrdreg s5  }
0x22: {  	[dreg:$0x4] =	wrdreg $0xC0  }
0x23: {  	_ =	task [dreg:s7], $0x5FFFF  }
0x24: {  	[dreg:$0x1] =	wrdreg $0xFFFFFFFF  }
0x25: {  	[dreg:$0x0] =	wrdreg $0x60  }
0x26: {  	[dreg:$0x2] =	wrdreg s25  }
0x27: {  	[dreg:$0x3] =	wrdreg s2  }
0x28: {  	[dreg:$0x4] =	wrdreg $0x9  }
0x29: {  	_ =	task.clear_ibuf [dreg:s7], $0x5FFFF;
	_ =	strace $0x90000049  }
0x2a: {  	s29 =	simm.s32 $0x9;
	_ =	strace $0x8000004B  }
0x2b: {  	_ =	swait.ge [sflag:s29], $0x1  }
0x2c: {  	[sflag:s29] =	ssyncadd.s32 $0xFFFFFFFF  }
0x2d: {  	_ =	strace $0x9000004B  }
0x2e: {  	_ =	sfence  }
0x2f: {  	s30 =	sld [smem:$0x0];
	_ =	sdelay $0x2  }
0x30: {  	s31 =	sshll.u32 s1, $0xD;
	s1 =	sshrl.u32 s1, $0x2  }
0x31: {  	s3 =	sand.u32 $0x4000, s31;
	s1 =	sadd.s32 s1, s30  }
0x32: {  	s0 =	sor.u32 s3, s0;
	s1 =	sshll.u32 s1, $0x11  }
0x33: {  	s0 =	sor.u32 s1, s0  }
0x34: {  	s0 =	sadd.s32 $0x8F2B, s0  }
0x35: {  	[sflag:s0] =	ssyncadd.remote.s32 $0x1  }
0x36: {  	_ =	sfence.sel $0xFFFF  }
0x37: {  	[dreg:$0x0] =	wrdreg $0xFFFFFFFF;
	(pc) =	sbr.abs _section_cstart, $3  }
0x38: {  	[dreg:$0x1] =	wrdreg $0xFFFFFFFF  }
0x39: {  	_ =	task.clear_ibuf [dreg:s7], $0x2FFFF;
	_ =	strace $0x9FFFFFFF  }
0x3a: {  	(tm) =	ssettm $0x7FFFFFFF  }
0x3b: {  	_ =	shalt  }
tec
execute0_lowered:
.L_overlay_start_1:
0x0: {  	(tag) =	ssettag $0x1  }
0x1: {  	s0 =	srdreg.scid  }
0x2: {  	s1 =	sshll.u32 s0, $0x4  }
0x3: {  	s0 =	stileid.u32;
	s1 =	sand.u32 $0x10, s1  }
0x4: {  	s1 =	sor.u32 s0, s1  }
0x5: {  	s6 =	rddreg [dreg:$0x0];
	s4 =	simm.s32 $0x1;
	s2 =	sshll.u32 s1, $0x7  }
0x6: {  	s7 =	simm.s32 $0x2;
	s12 =	simm.s32 $0x0;
	s1 =	ssub.s32 $0x1000, s2  }
0x7: {  	s8 =	simm.s32 $0x8000;
	s13 =	simm.s32 $0x0;
	s3 =	sand.u32 $0xF80, s1  }
0x8: {  	s9 =	simm.s32 $0x0;
	s5 =	sshrl.u32 s1, $0xC;
	p0 =	sne.s32 s3, $0x0  }
.Ltmp0:
0x9: {  	s1 =	rddreg [dreg:$0x2];
	s4 =	simm.s32 @!p0 $0x0;
	(pc) =	sbr.rel .LBB1_1-.Ltmp0, $4  }
0xa: {  	s11 =	simm.s32 $0x0;
	s3 =	rddreg [dreg:$0x1];
	s5 =	sadd.s32 s4, s5  }
0xb: {  	_ =	strace $0x8000004A;
	s4 =	simm.s32 $0x1;
	s5 =	smul.u32 $0xC8, s5  }
0xc: {  	s6 =	sadd.s32 $0x1000, s6;
	s10 =	smov.u32 s2;
	[sflag:s4] =	ssyncpa.u1 $0x0  }
0xd: {  	p0 =	por $0x0, $0x0;
	[sflag:s7] =	ssyncpa.u1 $0x0;
	s7 =	sor.u32 $0x1, s5  }
.LBB1_4:
0xe: {  	s16 =	sshll.u32 s13, $0x3;
	s17 =	sand.u32 $0x78, s13  }
0xf: {  	s30 =	sand.u32 $0x7E00, s13;
	s12 =	sshll.u32 s12, $0xF;
	s16 =	sand.u32 $0xC00, s16  }
0x10: {  	[tilespmem:s15+$0x810 ss:$0x81] =	vst.msk $0xffff, v2;
	s31 =	sand.u32 $0x7, s13;
	s16 =	sor.u32 s17, s16;
	s17 =	sadd.s32 s3, s30  }
0x11: {  	[tilespmem:s15+$0x1020 ss:$0x81] =	vst.msk $0xffff, v0;
	s13 =	sshll.u32 s31, $0x12;
	s12 =	sadd.s32 s12, s17;
	s16 =	sshrl.u32 s16, $0x3  }
0x12: {  	[tilespmem:s15+$0x0 ss:$0x81] =	vst.msk $0xffff, v1;
	s13 =	sor.u32 $0x400, s13;
	s12 =	sadd.s32 s16, s12  }
0x13: {  	[hbm4b:s12+s13] =	stream.strided.scatter [tilespmem:s14], [sflag:$0x2], $0x2000, s8, s13, $0x20;
	[tilespmem:$0x8080] =	vst v63  }
.LBB1_5:
0x14: {  	s14 =	sadd.s32 $0x1, s9  }
0x15: {  	s12 =	sadd.s32 $0x1000, s10;
	s16 =	smov.u32 s10;
	p2 =	sgt.s32 s14, $0xC7  }
0x16: {  	s16 =	smov.u32 @p2 s12  }
0x17: {  	s14 =	simm.s32 @p2 $0x0;
	p2 =	sgt.s32 s16, $0xFFF  }
0x18: {  	s16 =	smov.u32 @p2 s2;
	p2 =	sne.s32 s11, s7  }
.Ltmp1:
0x19: {  	p1 =	slt.u32 s11, $0x2;
	(pc) =	sbr.rel @!p2 .LBB1_6-.Ltmp1, $4  }
0x1a: {  	s15 =	simm.s32 @!p1 $0x2  }
0x1b: {  	s13 =	smov.u32 s10;
	p0 =	por !p0, !p0;
	_ =	swait.ge @!p1 [sflag:s15], $0x2000  }
0x1c: {  	s12 =	smov.u32 s9;
	[sflag:s15] =	ssyncset.done @!p1 $0x0;
	s9 =	smov.u32 s14  }
0x1d: {  	s11 =	sadd.s32 $0x1, s11;
	[sflag:s15] =	ssyncadd.s32 @!p1 $0xFFFFE000;
	s10 =	smov.u32 s16  }
.LBB1_1:
0x1e: {  	p1 =	sge.u32 s11, s5  }
0x1f: {  	s14 =	sand.u32 @!p1 $0x1FFFFFF, s9  }
0x20: {  	s15 =	smulhi.u32 @!p1 $0x147AE15, s14;
	_ =	sdelay $0x1  }
0x21: {  	s15 =	smul.u32 @!p1 $0xC8, s15  }
0x22: {  	s16 =	sxor.u32 @!p1 $0xFFFFFFFF, s11;
	s17 =	smul.u32 @!p1 $0xC80, s10  }
0x23: {  	s31 =	sadd.s32 $0xFFFFFFFF, s11;
	s16 =	sshll.u32 @!p1 s16, $0xD;
	s14 =	ssub.s32 @!p1 s14, s15  }
0x24: {  	s15 =	sand.u32 @!p1 $0x2000, s16;
	s16 =	sadd.s32 @!p1 s6, s17;
	s14 =	sshll.u32 @!p1 s14, $0x4  }
0x25: {  	s17 =	simm.s32 @!p1 $0x6400;
	s14 =	sadd.s32 @!p1 s14, s16;
	s16 =	simm.s32 @!p1 $0x40  }
0x26: {  	[tilespmem:s15], [sflag:$0x1] =	stream.strided.gather @!p1 [hbm4b:s14+s16], $0x2000, s17, s16, $0x38;
	[tilespmem:$0x8080] =	vst v63  }
0x27: {  	p1 =	sge.u32 s31, s5  }
.Ltmp2:
0x28: {  	_ = 	snop;
	(pc) =	sbr.rel @p1 .LBB1_5-.Ltmp2, $1  }
0x29: {  	_ =	sdelay $0x3  }
0x2a: {  	s14 =	simm.s32 $0x1  }
0x2b: {  	_ =	swait.ge [sflag:s4], $0x2000;
	s14 =	simm.s32 @!p0 $0x0  }
0x2c: {  	[sflag:s4] =	ssyncset.done $0x0;
	s15 =	sshll.u32 s14, $0xD  }
0x2d: {  	[sflag:s4] =	ssyncadd.s32 $0xFFFFE000;
	s18 =	sor.u32 $0x20, s15  }
0x2e: {  	s14 =	smul.u32 $0x8100, s14;
	v3 =	vld [tilespmem:s18+$0x10]  }
0x2f: {  	s30 =	sand.u32 $0x1, s11;
	v2 =	vld [tilespmem:s18+$0xFFFFFFF0]  }
0x30: {  	s15 =	smul.u32 $0x8100, s30;
	s14 =	sshrl.u32 s14, $0x2;
	v0 =	vld [tilespmem:s18+$0x0]  }
0x31: {  	v1 =	vld [tilespmem:s18+$0xFFFFFFE0];
	s16 =	sor.u32 $0x4000, s14  }
0x32: {  	s31 =	sshrl.u32 s15, $0x2;
	s15 =	sadd.s32 $0x0, s16  }
0x33: {  	s17 =	simm.s32 $0x4;
	s18 =	sadd.s32 $0x40, s18;
	s14 =	sor.u32 $0x4000, s31;
	[tilespmem:s15+$0x1830 ss:$0x81] =	vst.msk $0xffff, v3  }
.LBB1_3:
0x34: {  	v3 =	vld [tilespmem:s18+$0x10];
	p1 =	sne.s32 s17, $0x1FC;
	[tilespmem:s15+$0x810 ss:$0x81] =	vst.msk $0xffff, v2;
	s19 =	smov.u32 s17;
	s17 =	sadd.s32 $0x4, s17  }
.Ltmp3:
0x35: {  	v2 =	vld [tilespmem:s18+$0xFFFFFFF0];
	[tilespmem:s15+$0x1020 ss:$0x81] =	vst.msk $0xffff, v0;
	(pc) =	sbr.rel @p1 .LBB1_3-.Ltmp3, $4  }
0x36: {  	v0 =	vld [tilespmem:s18+$0x0];
	[tilespmem:s15+$0x0 ss:$0x81] =	vst.msk $0xffff, v1  }
0x37: {  	s15 =	sshra.s32 s19, $0x2;
	v1 =	vld [tilespmem:s18+$0xFFFFFFE0]  }
0x38: {  	s15 =	sadd.s32 s15, s16  }
0x39: {  	s18 =	sadd.s32 $0x40, s18;
	[tilespmem:s15+$0x1830 ss:$0x81] =	vst.msk $0xffff, v3  }
.Ltmp4:
0x3a: {  	_ = 	snop;
	(pc) =	sbr.rel .LBB1_4-.Ltmp4, $1  }
0x3b: {  	_ =	sdelay $0x3  }
.LBB1_6:
0x3c: {  	_ =	sfence.sel $0x180000  }
0x3d: {  	s2 =	simm.s32 $0x1;
	[bflag:$0x0] =	sbarrier.arrive $0xFFFF  }
0x3e: {  	s31 =	simm.s32 $0x2;
	[sflag:s2] =	ssyncpa.u1 $0x1  }
0x3f: {  	[sflag:s31] =	ssyncpa.u1 $0x1  }
0x40: {  	p0 =	sne.s32 s0, $0x0;
	_ =	strace $0x9000004A  }
0x41: {  	s0 =	sadd.s32 @!p0 $0x100000, s1;
	[bflag:$0x2] =	sbarrier.arrive $0xFFFF  }
0x42: {  	[sflag:s0] =	ssyncadd.tile.s32 @!p0 $0x1;
	_ =	shalt  }
.Lfunc_end1:
_tile_overlayer_lowered:
.L_overlay_start_2:
0x43: {  	(tag) =	ssettag $0x2  }
0x44: {  	s0 =	rddreg [dreg:$0x0];
	s2 =	stileid.u32  }
0x45: {  	s1 =	rddreg [dreg:$0x1];
	p0 =	sne.s32 s2, $0x0  }
0x46: {  	s3 =	rddreg [dreg:$0x2];
	[bflag:$0x3] =	sbarrier.arrive $0xFFFF;
	s2 =	simm.s32 @!p0 $0x1C01  }
0x47: {  	[timem:s3], [sflag:s2] =	dma.local @!p0 [hbm:s0], s1  }
0x48: {  	s0 =	simm.s32 @!p0 $0x1  }
0x49: {  	_ =	swait.ge @!p0 [sflag:s0], s1  }
0x4a: {  	s1 =	ssub.s32 @!p0 $0x0, s1;
	[sflag:s0] =	ssyncset.done @!p0 $0x0  }
0x4b: {  	[sflag:s0] =	ssyncadd.s32 @!p0 s1  }
0x4c: {  	[bflag:$0x3] =	sbarrier.arrive $0xFFFF  }
0x4d: {  	_ =	shalt  }

</sc_bundles>
